<compile_context>
chip_gen: v7x
topology: tpu7x:2x2x1
jax: 0.10.2.dev20260603
libtpu: 0.0.44.dev20260713+nightly
codegen_flags: <defaults>
</compile_context>

<pallas_src>
import functools

import jax
import jax.numpy as jnp
from jax import lax
from jax.experimental import pallas as pl
from jax.experimental.pallas import tpu as pltpu
from jax.experimental.pallas import tpu_sc as plsc

N_EMBD = 1024
N_INNER = 768
N_EXPERTS = 64
T = 2048
TILE_M = 128

SC_CORES = 2
SC_SUBCORES = 16
SC_WORKERS = SC_CORES * SC_SUBCORES
ROWS_PER_WORKER = T // SC_WORKERS


def _routing_body(logits_ref, pos_ref, perm_ref, wg_ref, counts_ref):
    logits = logits_ref[...]
    m = jnp.max(logits, axis=1, keepdims=True)
    p = jnp.exp(logits - m)
    s = jnp.sum(p, axis=1, keepdims=True)
    probs = p / s
    w = jnp.max(probs, axis=1, keepdims=True)
    cols = lax.broadcasted_iota(jnp.int32, (T, N_EXPERTS), 1)
    e_sel = jnp.min(jnp.where(probs == w, cols, N_EXPERTS), axis=1, keepdims=True)
    onehot = (cols == e_sel).astype(jnp.float32)
    counts = jnp.sum(onehot, axis=0, keepdims=True)
    ri = lax.broadcasted_iota(jnp.int32, (T, T), 0)
    ci = lax.broadcasted_iota(jnp.int32, (T, T), 1)
    tril = (ci <= ri).astype(jnp.bfloat16)
    incl = jnp.dot(tril, onehot.astype(jnp.bfloat16),
                   preferred_element_type=jnp.float32)
    re = lax.broadcasted_iota(jnp.int32, (N_EXPERTS, N_EXPERTS), 0)
    ce = lax.broadcasted_iota(jnp.int32, (N_EXPERTS, N_EXPERTS), 1)
    upper = (re < ce).astype(jnp.float32)
    starts = jnp.dot(counts, upper, preferred_element_type=jnp.float32)
    posf = jnp.sum(onehot * (starts + incl - 1.0), axis=1, keepdims=True)
    posi = posf.astype(jnp.int32)
    ci_t = lax.broadcasted_iota(jnp.int32, (T, T), 1)
    m2 = (ci_t == posi).astype(jnp.float32)
    rows_f = lax.broadcasted_iota(jnp.int32, (T, 1), 0).astype(jnp.float32)
    narrow = jnp.concatenate([rows_f, w], axis=1)
    sorted_meta = lax.dot_general(m2, narrow, (((0,), (0,)), ((), ())),
                                  precision=lax.Precision.HIGHEST,
                                  preferred_element_type=jnp.float32)
    perm_ref[...] = sorted_meta[:, 0:1].astype(jnp.int32)
    wg_ref[...] = sorted_meta[:, 1:2]
    pos_ref[...] = posi
    counts_ref[...] = counts.astype(jnp.int32)


def _sc_gather_body(table_hbm, idx_hbm, out_hbm, idx_v, rows_v, sem):
    wid = lax.axis_index("s") * SC_CORES + lax.axis_index("c")
    base = wid * ROWS_PER_WORKER
    pltpu.sync_copy(idx_hbm.at[pl.ds(base, ROWS_PER_WORKER)], idx_v)
    pltpu.async_copy(table_hbm.at[idx_v], rows_v, sem).wait()
    pltpu.sync_copy(rows_v, out_hbm.at[pl.ds(base, ROWS_PER_WORKER)])


def _sc_gather_rows(table, idx):
    mesh = plsc.VectorSubcoreMesh(core_axis_name="c", subcore_axis_name="s")
    f = pl.kernel(
        _sc_gather_body,
        mesh=mesh,
        out_type=jax.ShapeDtypeStruct((T, N_EMBD), jnp.float32),
        scratch_types=[
            pltpu.VMEM((ROWS_PER_WORKER,), jnp.int32),
            pltpu.VMEM((ROWS_PER_WORKER, N_EMBD), jnp.float32),
            pltpu.SemaphoreType.DMA,
        ],
    )
    return f(table, idx)


def _gmm_body(starts_ref, xg_ref, wg_ref, w1_ref, w2_ref, out_ref):
    e = pl.program_id(0)
    s0 = starts_ref[e]
    s1 = starts_ref[e + 1]
    first = s0 - lax.rem(s0, 8)
    ntiles = lax.div(s1 - first + TILE_M - 1, TILE_M)
    w1 = w1_ref[0].astype(jnp.bfloat16)
    w2 = w2_ref[0].astype(jnp.bfloat16)

    def body(t, _):
        off = jnp.minimum(first + t * TILE_M, T - TILE_M)
        off = pl.multiple_of(off, 8)
        xt = xg_ref[pl.ds(off, TILE_M), :].astype(jnp.bfloat16)
        h = lax.dot_general(xt, w1, (((1,), (1,)), ((), ())),
                            preferred_element_type=jnp.float32)
        h = 0.5 * h * (1.0 + lax.erf(h * (2.0 ** -0.5)))
        o = jnp.dot(h.astype(jnp.bfloat16), w2,
                    preferred_element_type=jnp.float32)
        o = o * wg_ref[pl.ds(off, TILE_M), :]
        rows = off + lax.broadcasted_iota(jnp.int32, (TILE_M, 1), 0)
        mask = (rows >= s0) & (rows < s1)
        cur = out_ref[pl.ds(off, TILE_M), :]
        out_ref[pl.ds(off, TILE_M), :] = jnp.where(mask, o, cur)
        return 0

    lax.fori_loop(0, ntiles, body, 0)


def kernel(x, Wg, W1, W2):
    logits = x @ Wg.T

    pos, perm, wg, counts = pl.pallas_call(
        _routing_body,
        out_shape=(
            jax.ShapeDtypeStruct((T, 1), jnp.int32),
            jax.ShapeDtypeStruct((T, 1), jnp.int32),
            jax.ShapeDtypeStruct((T, 1), jnp.float32),
            jax.ShapeDtypeStruct((1, N_EXPERTS), jnp.int32),
        ),
    )(logits)

    starts = jnp.concatenate(
        [jnp.zeros((1,), jnp.int32), jnp.cumsum(counts[0]).astype(jnp.int32)])

    xg = _sc_gather_rows(x, perm.reshape(T))

    out_g = pl.pallas_call(
        _gmm_body,
        grid_spec=pltpu.PrefetchScalarGridSpec(
            num_scalar_prefetch=1,
            grid=(N_EXPERTS,),
            in_specs=[
                pl.BlockSpec((T, N_EMBD), lambda e, s: (0, 0)),
                pl.BlockSpec((T, 1), lambda e, s: (0, 0)),
                pl.BlockSpec((1, N_INNER, N_EMBD), lambda e, s: (e, 0, 0)),
                pl.BlockSpec((1, N_INNER, N_EMBD), lambda e, s: (e, 0, 0)),
            ],
            out_specs=pl.BlockSpec((T, N_EMBD), lambda e, s: (0, 0)),
        ),
        out_shape=jax.ShapeDtypeStruct((T, N_EMBD), jnp.float32),
    )(starts, xg, wg, W1, W2)

    out = _sc_gather_rows(out_g, pos.reshape(T))
    return out

# --- scband reference (transcript-rebuilt; emitter-appended) ---
"""Pipeline reference for scband-bf16-module-15221364097544 (READ-ONLY COPY).

The authoritative reference and input builder live on the scoring server;
editing this copy changes nothing except your own understanding.
"""

import jax, jax.numpy as jnp
import numpy as np

N_EMBD = 1024
N_INNER = 768
N_EXPERTS = 64
TOP_K = 1
T = 2048


def setup_inputs(seed: int = 0) -> dict:
    key = jax.random.key(seed)
    k1, k2, k3, k4 = jax.random.split(key, 4)
    x = jax.random.normal(k1, (T, N_EMBD), dtype=jnp.float32)
    # gating_network: Linear(n_embd, n_experts, bias=False) -> weight [E, d]
    Wg = jax.random.normal(k2, (N_EXPERTS, N_EMBD), dtype=jnp.float32) * 0.02
    # fc1: Linear(n_embd, n_inner*n_experts) weight viewed as [E, n_inner, d]
    lim1 = float(np.sqrt(1.0 / N_EMBD))
    W1 = jax.random.uniform(k3, (N_EXPERTS, N_INNER, N_EMBD), dtype=jnp.float32, minval=-lim1, maxval=lim1)
    # fc2: Linear(n_embd, n_inner*n_experts) weight viewed as [E, n_inner, d]
    lim2 = float(np.sqrt(1.0 / N_INNER))
    W2 = jax.random.uniform(k4, (N_EXPERTS, N_INNER, N_EMBD), dtype=jnp.float32, minval=-lim2, maxval=lim2)
    return {"x": x, "Wg": Wg, "W1": W1, "W2": W2}


def _moe_forward(x, Wg, W1, W2):
    T_, d = x.shape
    # routing
    routing_logits = x @ Wg.T
    weights = jax.nn.softmax(routing_logits.astype(jnp.float32), axis=1)
    multiplier, selected_experts = jax.lax.top_k(weights, TOP_K)
    expert_weights = multiplier.reshape(-1)          # [T*k]
    top_experts = selected_experts.reshape(-1).astype(jnp.int32)  # [T*k]
    # indices_and_bins: stable sort by expert id (megablocks radix sort is stable)
    indices = jnp.argsort(top_experts)               # stable by default
    bin_ids = top_experts[indices]                   # sorted expert ids
    tok = indices // TOP_K                           # source token for each gathered row
    # mega_ops.gather: out[i] = x[indices[i] // top_k]
    x_g = x[tok]
    # grouped GEMM (exact, static shapes): per gathered row use its expert's weights
    def per_token(args):
        xt, et = args
        h = jax.nn.gelu(xt @ W1[et].T, approximate=False)  # torch GELU default is erf
        return h @ W2[et]
    out_g = jax.lax.map(per_token, (x_g, bin_ids))   # [T*k, d]
    # mega_ops.scatter: output[indices[i]//top_k] += expert_weights[indices[i]] * out_g[i]
    w = expert_weights[indices]
    out = jnp.zeros((T_, d), dtype=x.dtype).at[tok].add(out_g * w[:, None])
    return out


def reference(x, Wg, W1, W2):
    return _moe_forward(x, Wg, W1, W2)

if __name__ == "__main__":
    import jax
    _d = setup_inputs()
    print(jax.jit(kernel)(*tuple(_d.values())))

</pallas_src>

<mosaic_0001>
#map = affine_map<(d0, d1) -> (0, 0)>
#map1 = affine_map<(d0, d1) -> (0)>
module attributes {stable_mosaic.version = 14 : i64} {
  func.func @_sc_gather_body(%arg0: i32, %arg1: i32, %arg2: memref<2048x1024xf32, #tpu.memory_space<hbm>>, %arg3: memref<2048xi32, #tpu.memory_space<hbm>>, %arg4: memref<2048x1024xf32, #tpu.memory_space<hbm>>, %arg5: memref<64xi32, #tpu.memory_space<vmem>>, %arg6: memref<64x1024xf32, #tpu.memory_space<vmem>>, %arg7: memref<!tpu.dma_semaphore, #tpu.memory_space<semaphore_mem>>) attributes {dimension_semantics = [#tpu.dimension_semantics<core_parallel>, #tpu.dimension_semantics<subcore_parallel>], iteration_bounds = array<i64: 2, 16>, scalar_prefetch = 0 : i64, scratch_operands = 3 : i64, tpu.core_type = #tpu.core_type<sc_vector_subcore>, window_params = [{transform_indices = #map}, {transform_indices = #map1}, {transform_indices = #map}]} {
    %mul3A = arith.constant 2 : i32
    %mul3A_0 = arith.muli %arg1, %mul3A : i32
    %add3A = arith.addi %mul3A_0, %arg0 : i32
    %mul3A_1 = arith.constant 64 : i32
    %mul3A_2 = arith.muli %add3A, %mul3A_1 : i32
    "tpu.region"() ({
      %run_scoped3A = tpu.sem_alloc : memref<!tpu.dma_semaphore, #tpu.memory_space<semaphore_mem>>
      %dma_start3A_7 = tpu.memref_slice %arg3[%mul3A_2] : memref<2048xi32, #tpu.memory_space<hbm>> -> memref<64xi32, #tpu.memory_space<hbm>>
      %dma_start3A_8 = tpu.memref_slice %arg3[%mul3A_2] : memref<2048xi32, #tpu.memory_space<hbm>> -> memref<64xi32, #tpu.memory_space<hbm>>
      tpu.enqueue_dma source(%dma_start3A_8 : memref<64xi32, #tpu.memory_space<hbm>>) target(%arg5 : memref<64xi32, #tpu.memory_space<vmem>>) target_semaphore(%run_scoped3A : memref<!tpu.dma_semaphore, #tpu.memory_space<semaphore_mem>>)
      %dma_wait3A_9 = tpu.memref_slice %arg3[%mul3A_2] : memref<2048xi32, #tpu.memory_space<hbm>> -> memref<64xi32, #tpu.memory_space<hbm>>
      %dma_wait3A_10 = tpu.memref_slice %arg3[%mul3A_2] : memref<2048xi32, #tpu.memory_space<hbm>> -> memref<64xi32, #tpu.memory_space<hbm>>
      tpu.wait_dma2 semaphore(%run_scoped3A : memref<!tpu.dma_semaphore, #tpu.memory_space<semaphore_mem>>) src(%dma_wait3A_10 : memref<64xi32, #tpu.memory_space<hbm>>) dst(%arg5 : memref<64xi32, #tpu.memory_space<vmem>>)
      tpu.yield
    }) : () -> ()
    %dma_start3A = arith.constant 0 : i32
    %dma_start3A_3 = arith.constant 0 : i32
    %dma_start3A_4 = tpu.memref_slice %arg2[%dma_start3A, %dma_start3A_3] : memref<2048x1024xf32, #tpu.memory_space<hbm>> -> memref<2048x1024xf32, #tpu.memory_space<hbm>>
    tpu.enqueue_indirect_dma source(%dma_start3A_4 : memref<2048x1024xf32, #tpu.memory_space<hbm>>) target(%arg6 : memref<64x1024xf32, #tpu.memory_space<vmem>>) offsets(%arg5 : memref<64xi32, #tpu.memory_space<vmem>>) semaphore(%arg7 : memref<!tpu.dma_semaphore, #tpu.memory_space<semaphore_mem>>)
    %dma_wait3A = arith.constant 0 : i32
    %dma_wait3A_5 = arith.constant 0 : i32
    %dma_wait3A_6 = tpu.memref_slice %arg2[%dma_wait3A, %dma_wait3A_5] : memref<2048x1024xf32, #tpu.memory_space<hbm>> -> memref<2048x1024xf32, #tpu.memory_space<hbm>>
    tpu.wait_indirect_dma semaphore(%arg7 : memref<!tpu.dma_semaphore, #tpu.memory_space<semaphore_mem>>) src(%dma_wait3A_6 : memref<2048x1024xf32, #tpu.memory_space<hbm>>) dst(%arg6 : memref<64x1024xf32, #tpu.memory_space<vmem>>)
    "tpu.region"() ({
      %run_scoped3A = tpu.sem_alloc : memref<!tpu.dma_semaphore, #tpu.memory_space<semaphore_mem>>
      %dma_start3A_7 = arith.constant 0 : i32
      %dma_start3A_8 = tpu.memref_slice %arg4[%mul3A_2, %dma_start3A_7] : memref<2048x1024xf32, #tpu.memory_space<hbm>> -> memref<64x1024xf32, #tpu.memory_space<hbm>>
      %dma_start3A_9 = arith.constant 0 : i32
      %dma_start3A_10 = tpu.memref_slice %arg4[%mul3A_2, %dma_start3A_9] : memref<2048x1024xf32, #tpu.memory_space<hbm>> -> memref<64x1024xf32, #tpu.memory_space<hbm>>
      tpu.enqueue_dma source(%arg6 : memref<64x1024xf32, #tpu.memory_space<vmem>>) target(%dma_start3A_10 : memref<64x1024xf32, #tpu.memory_space<hbm>>) target_semaphore(%run_scoped3A : memref<!tpu.dma_semaphore, #tpu.memory_space<semaphore_mem>>)
      %dma_wait3A_11 = arith.constant 0 : i32
      %dma_wait3A_12 = tpu.memref_slice %arg4[%mul3A_2, %dma_wait3A_11] : memref<2048x1024xf32, #tpu.memory_space<hbm>> -> memref<64x1024xf32, #tpu.memory_space<hbm>>
      %dma_wait3A_13 = arith.constant 0 : i32
      %dma_wait3A_14 = tpu.memref_slice %arg4[%mul3A_2, %dma_wait3A_13] : memref<2048x1024xf32, #tpu.memory_space<hbm>> -> memref<64x1024xf32, #tpu.memory_space<hbm>>
      tpu.wait_dma2 semaphore(%run_scoped3A : memref<!tpu.dma_semaphore, #tpu.memory_space<semaphore_mem>>) src(%arg6 : memref<64x1024xf32, #tpu.memory_space<vmem>>) dst(%dma_wait3A_14 : memref<64x1024xf32, #tpu.memory_space<hbm>>)
      tpu.yield
    }) : () -> ()
    return
  }
}

#map = affine_map<(d0, d1) -> (0, 0)>
#map1 = affine_map<(d0, d1) -> (0)>
module attributes {stable_mosaic.version = 14 : i64} {
  func.func @_sc_gather_body(%arg0: i32, %arg1: i32, %arg2: memref<2048x1024xf32, #tpu.memory_space<hbm>>, %arg3: memref<2048xi32, #tpu.memory_space<hbm>>, %arg4: memref<2048x1024xf32, #tpu.memory_space<hbm>>, %arg5: memref<64xi32, #tpu.memory_space<vmem>>, %arg6: memref<64x1024xf32, #tpu.memory_space<vmem>>, %arg7: memref<!tpu.dma_semaphore, #tpu.memory_space<semaphore_mem>>) attributes {dimension_semantics = [#tpu.dimension_semantics<core_parallel>, #tpu.dimension_semantics<subcore_parallel>], iteration_bounds = array<i64: 2, 16>, scalar_prefetch = 0 : i64, scratch_operands = 3 : i64, tpu.core_type = #tpu.core_type<sc_vector_subcore>, window_params = [{transform_indices = #map}, {transform_indices = #map1}, {transform_indices = #map}]} {
    %mul3A = arith.constant 2 : i32
    %mul3A_0 = arith.muli %arg1, %mul3A : i32
    %add3A = arith.addi %mul3A_0, %arg0 : i32
    %mul3A_1 = arith.constant 64 : i32
    %mul3A_2 = arith.muli %add3A, %mul3A_1 : i32
    "tpu.region"() ({
      %run_scoped3A = tpu.sem_alloc : memref<!tpu.dma_semaphore, #tpu.memory_space<semaphore_mem>>
      %dma_start3A_7 = tpu.memref_slice %arg3[%mul3A_2] : memref<2048xi32, #tpu.memory_space<hbm>> -> memref<64xi32, #tpu.memory_space<hbm>>
      %dma_start3A_8 = tpu.memref_slice %arg3[%mul3A_2] : memref<2048xi32, #tpu.memory_space<hbm>> -> memref<64xi32, #tpu.memory_space<hbm>>
      tpu.enqueue_dma source(%dma_start3A_8 : memref<64xi32, #tpu.memory_space<hbm>>) target(%arg5 : memref<64xi32, #tpu.memory_space<vmem>>) target_semaphore(%run_scoped3A : memref<!tpu.dma_semaphore, #tpu.memory_space<semaphore_mem>>)
      %dma_wait3A_9 = tpu.memref_slice %arg3[%mul3A_2] : memref<2048xi32, #tpu.memory_space<hbm>> -> memref<64xi32, #tpu.memory_space<hbm>>
      %dma_wait3A_10 = tpu.memref_slice %arg3[%mul3A_2] : memref<2048xi32, #tpu.memory_space<hbm>> -> memref<64xi32, #tpu.memory_space<hbm>>
      tpu.wait_dma2 semaphore(%run_scoped3A : memref<!tpu.dma_semaphore, #tpu.memory_space<semaphore_mem>>) src(%dma_wait3A_10 : memref<64xi32, #tpu.memory_space<hbm>>) dst(%arg5 : memref<64xi32, #tpu.memory_space<vmem>>)
      tpu.yield
    }) : () -> ()
    %dma_start3A = arith.constant 0 : i32
    %dma_start3A_3 = arith.constant 0 : i32
    %dma_start3A_4 = tpu.memref_slice %arg2[%dma_start3A, %dma_start3A_3] : memref<2048x1024xf32, #tpu.memory_space<hbm>> -> memref<2048x1024xf32, #tpu.memory_space<hbm>>
    tpu.enqueue_indirect_dma source(%dma_start3A_4 : memref<2048x1024xf32, #tpu.memory_space<hbm>>) target(%arg6 : memref<64x1024xf32, #tpu.memory_space<vmem>>) offsets(%arg5 : memref<64xi32, #tpu.memory_space<vmem>>) semaphore(%arg7 : memref<!tpu.dma_semaphore, #tpu.memory_space<semaphore_mem>>)
    %dma_wait3A = arith.constant 0 : i32
    %dma_wait3A_5 = arith.constant 0 : i32
    %dma_wait3A_6 = tpu.memref_slice %arg2[%dma_wait3A, %dma_wait3A_5] : memref<2048x1024xf32, #tpu.memory_space<hbm>> -> memref<2048x1024xf32, #tpu.memory_space<hbm>>
    tpu.wait_indirect_dma semaphore(%arg7 : memref<!tpu.dma_semaphore, #tpu.memory_space<semaphore_mem>>) src(%dma_wait3A_6 : memref<2048x1024xf32, #tpu.memory_space<hbm>>) dst(%arg6 : memref<64x1024xf32, #tpu.memory_space<vmem>>)
    "tpu.region"() ({
      %run_scoped3A = tpu.sem_alloc : memref<!tpu.dma_semaphore, #tpu.memory_space<semaphore_mem>>
      %dma_start3A_7 = arith.constant 0 : i32
      %dma_start3A_8 = tpu.memref_slice %arg4[%mul3A_2, %dma_start3A_7] : memref<2048x1024xf32, #tpu.memory_space<hbm>> -> memref<64x1024xf32, #tpu.memory_space<hbm>>
      %dma_start3A_9 = arith.constant 0 : i32
      %dma_start3A_10 = tpu.memref_slice %arg4[%mul3A_2, %dma_start3A_9] : memref<2048x1024xf32, #tpu.memory_space<hbm>> -> memref<64x1024xf32, #tpu.memory_space<hbm>>
      tpu.enqueue_dma source(%arg6 : memref<64x1024xf32, #tpu.memory_space<vmem>>) target(%dma_start3A_10 : memref<64x1024xf32, #tpu.memory_space<hbm>>) target_semaphore(%run_scoped3A : memref<!tpu.dma_semaphore, #tpu.memory_space<semaphore_mem>>)
      %dma_wait3A_11 = arith.constant 0 : i32
      %dma_wait3A_12 = tpu.memref_slice %arg4[%mul3A_2, %dma_wait3A_11] : memref<2048x1024xf32, #tpu.memory_space<hbm>> -> memref<64x1024xf32, #tpu.memory_space<hbm>>
      %dma_wait3A_13 = arith.constant 0 : i32
      %dma_wait3A_14 = tpu.memref_slice %arg4[%mul3A_2, %dma_wait3A_13] : memref<2048x1024xf32, #tpu.memory_space<hbm>> -> memref<64x1024xf32, #tpu.memory_space<hbm>>
      tpu.wait_dma2 semaphore(%run_scoped3A : memref<!tpu.dma_semaphore, #tpu.memory_space<semaphore_mem>>) src(%arg6 : memref<64x1024xf32, #tpu.memory_space<vmem>>) dst(%dma_wait3A_14 : memref<64x1024xf32, #tpu.memory_space<hbm>>)
      tpu.yield
    }) : () -> ()
    return
  }
}

module attributes {stable_mosaic.version = 14 : i64} {
  func.func @_routing_body(%arg0: memref<2048x64xf32, #tpu.memory_space<vmem>>, %arg1: memref<2048x1xi32, #tpu.memory_space<vmem>>, %arg2: memref<2048x1xi32, #tpu.memory_space<vmem>>, %arg3: memref<2048x1xf32, #tpu.memory_space<vmem>>, %arg4: memref<1x64xi32, #tpu.memory_space<vmem>>) attributes {dimension_semantics = [], scalar_prefetch = 0 : i64, scratch_operands = 0 : i64, tpu.core_type = #tpu.core_type<tc>} {
    %get3A = arith.constant 0 : index
    %get3A_0 = arith.constant 0 : index
    %get3A_1 = vector.load %arg0[%get3A, %get3A_0] : memref<2048x64xf32, #tpu.memory_space<vmem>>, vector<2048x64xf32>
    %reduce_max3A = arith.constant dense<0xFF800000> : vector<2048xf32>
    %reduce_max3A_2 = vector.multi_reduction <maximumf>, %get3A_1, %reduce_max3A [1] : vector<2048x64xf32> to vector<2048xf32>
    %broadcast_in_dim3A = vector.shape_cast %reduce_max3A_2 : vector<2048xf32> to vector<2048x1xf32>
    %sub3A = vector.broadcast %broadcast_in_dim3A : vector<2048x1xf32> to vector<2048x64xf32>
    %sub3A_3 = arith.subf %get3A_1, %sub3A : vector<2048x64xf32>
    %exp3A = math.exp %sub3A_3 : vector<2048x64xf32>
    %reduce_sum3A = arith.constant dense<0.000000e+00> : vector<2048xf32>
    %reduce_sum3A_4 = vector.multi_reduction <add>, %exp3A, %reduce_sum3A [1] : vector<2048x64xf32> to vector<2048xf32>
    %broadcast_in_dim3A_5 = vector.shape_cast %reduce_sum3A_4 : vector<2048xf32> to vector<2048x1xf32>
    %div3A = vector.broadcast %broadcast_in_dim3A_5 : vector<2048x1xf32> to vector<2048x64xf32>
    %div3A_6 = arith.divf %exp3A, %div3A : vector<2048x64xf32>
    %reduce_max3A_7 = arith.constant dense<0xFF800000> : vector<2048xf32>
    %reduce_max3A_8 = vector.multi_reduction <maximumf>, %div3A_6, %reduce_max3A_7 [1] : vector<2048x64xf32> to vector<2048xf32>
    %broadcast_in_dim3A_9 = vector.shape_cast %reduce_max3A_8 : vector<2048xf32> to vector<2048x1xf32>
    %iota3A = tpu.iota {dimensions = array<i32: 1>} : vector<2048x64xi32>
    %eq3A = vector.broadcast %broadcast_in_dim3A_9 : vector<2048x1xf32> to vector<2048x64xf32>
    %eq3A_10 = arith.cmpf oeq, %div3A_6, %eq3A : vector<2048x64xf32>
    %jit3A = arith.constant 64 : i32
    %broadcast_in_dim3A_11 = vector.broadcast %jit3A : i32 to vector<2048x64xi32>
    %select_n3A = arith.select %eq3A_10, %iota3A, %broadcast_in_dim3A_11 : vector<2048x64xi1>, vector<2048x64xi32>
    %reduce_min3A = arith.constant dense<2147483647> : vector<2048xi32>
    %reduce_min3A_12 = vector.multi_reduction <minsi>, %select_n3A, %reduce_min3A [1] : vector<2048x64xi32> to vector<2048xi32>
    %broadcast_in_dim3A_13 = vector.shape_cast %reduce_min3A_12 : vector<2048xi32> to vector<2048x1xi32>
    %eq3A_14 = vector.broadcast %broadcast_in_dim3A_13 : vector<2048x1xi32> to vector<2048x64xi32>
    %eq3A_15 = arith.cmpi eq, %iota3A, %eq3A_14 : vector<2048x64xi32>
    %convert_element_type3A = arith.extui %eq3A_15 : vector<2048x64xi1> to vector<2048x64xi32>
    %convert_element_type3A_16 = arith.sitofp %convert_element_type3A : vector<2048x64xi32> to vector<2048x64xf32>
    %reduce_sum3A_17 = arith.constant dense<0.000000e+00> : vector<64xf32>
    %reduce_sum3A_18 = vector.multi_reduction <add>, %convert_element_type3A_16, %reduce_sum3A_17 [0] : vector<2048x64xf32> to vector<64xf32>
    %broadcast_in_dim3A_19 = vector.shape_cast %reduce_sum3A_18 : vector<64xf32> to vector<1x64xf32>
    %iota3A_20 = tpu.iota {dimensions = array<i32: 0>} : vector<2048x2048xi32>
    %iota3A_21 = tpu.iota {dimensions = array<i32: 1>} : vector<2048x2048xi32>
    %le3A = arith.cmpi sle, %iota3A_21, %iota3A_20 : vector<2048x2048xi32>
    %convert_element_type3A_22 = arith.extui %le3A : vector<2048x2048xi1> to vector<2048x2048xi32>
    %convert_element_type3A_23 = arith.sitofp %convert_element_type3A_22 : vector<2048x2048xi32> to vector<2048x2048xf32>
    %convert_element_type3A_24 = arith.truncf %convert_element_type3A_23 : vector<2048x2048xf32> to vector<2048x2048xbf16>
    %convert_element_type3A_25 = arith.truncf %convert_element_type3A_16 : vector<2048x64xf32> to vector<2048x64xbf16>
    %dot_general3A = arith.constant dense<0.000000e+00> : vector<2048x64xf32>
    %dot_general3A_26 = tpu.matmul %convert_element_type3A_24, %convert_element_type3A_25, %dot_general3A {dimension_numbers = #tpu.dot_dimension_numbers<[1], [0], [0], [1], [0, 0, 1, 1], [], []>, transpose_lhs_hint = false} : vector<2048x2048xbf16>, vector<2048x64xbf16>, vector<2048x64xf32> -> vector<2048x64xf32>
    %iota3A_27 = tpu.iota {dimensions = array<i32: 0>} : vector<64x64xi32>
    %iota3A_28 = tpu.iota {dimensions = array<i32: 1>} : vector<64x64xi32>
    %lt3A = arith.cmpi slt, %iota3A_27, %iota3A_28 : vector<64x64xi32>
    %convert_element_type3A_29 = arith.extui %lt3A : vector<64x64xi1> to vector<64x64xi32>
    %convert_element_type3A_30 = arith.sitofp %convert_element_type3A_29 : vector<64x64xi32> to vector<64x64xf32>
    %dot_general3A_31 = arith.constant dense<0.000000e+00> : vector<1x64xf32>
    %dot_general3A_32 = tpu.matmul %broadcast_in_dim3A_19, %convert_element_type3A_30, %dot_general3A_31 {dimension_numbers = #tpu.dot_dimension_numbers<[1], [0], [0], [1], [0, 0, 1, 1], [], []>, transpose_lhs_hint = false} : vector<1x64xf32>, vector<64x64xf32>, vector<1x64xf32> -> vector<1x64xf32>
    %add3A = vector.broadcast %dot_general3A_32 : vector<1x64xf32> to vector<2048x64xf32>
    %add3A_33 = arith.addf %add3A, %dot_general3A_26 : vector<2048x64xf32>
    %sub3A_34 = arith.constant 1.000000e+00 : f32
    %sub3A_35 = vector.broadcast %sub3A_34 : f32 to vector<2048x64xf32>
    %sub3A_36 = arith.subf %add3A_33, %sub3A_35 : vector<2048x64xf32>
    %mul3A = arith.mulf %convert_element_type3A_16, %sub3A_36 : vector<2048x64xf32>
    %reduce_sum3A_37 = arith.constant dense<0.000000e+00> : vector<2048xf32>
    %reduce_sum3A_38 = vector.multi_reduction <add>, %mul3A, %reduce_sum3A_37 [1] : vector<2048x64xf32> to vector<2048xf32>
    %broadcast_in_dim3A_39 = vector.shape_cast %reduce_sum3A_38 : vector<2048xf32> to vector<2048x1xf32>
    %convert_element_type3A_40 = arith.fptosi %broadcast_in_dim3A_39 : vector<2048x1xf32> to vector<2048x1xi32>
    %iota3A_41 = tpu.iota {dimensions = array<i32: 1>} : vector<2048x2048xi32>
    %eq3A_42 = vector.broadcast %convert_element_type3A_40 : vector<2048x1xi32> to vector<2048x2048xi32>
    %eq3A_43 = arith.cmpi eq, %iota3A_41, %eq3A_42 : vector<2048x2048xi32>
    %convert_element_type3A_44 = arith.extui %eq3A_43 : vector<2048x2048xi1> to vector<2048x2048xi32>
    %convert_element_type3A_45 = arith.sitofp %convert_element_type3A_44 : vector<2048x2048xi32> to vector<2048x2048xf32>
    %iota3A_46 = tpu.iota {dimensions = array<i32: 0>} : vector<2048x1xi32>
    %convert_element_type3A_47 = arith.sitofp %iota3A_46 : vector<2048x1xi32> to vector<2048x1xf32>
    %concatenate3A = tpu.concatenate %convert_element_type3A_47, %broadcast_in_dim3A_9 in 1 : vector<2048x1xf32>, vector<2048x1xf32> -> vector<2048x2xf32>
    %dot_general3A_48 = arith.constant dense<0.000000e+00> : vector<2048x2xf32>
    %dot_general3A_49 = tpu.matmul %convert_element_type3A_45, %concatenate3A, %dot_general3A_48 {dimension_numbers = #tpu.dot_dimension_numbers<[0], [0], [1], [1], [0, 1, 1, 1], [], []>, precision = #tpu.contract_precision<fp32>, transpose_lhs_hint = false} : vector<2048x2048xf32>, vector<2048x2xf32>, vector<2048x2xf32> -> vector<2048x2xf32>
    %slice3A = vector.extract_strided_slice %dot_general3A_49 {offsets = [0, 0], sizes = [2048, 1], strides = [1, 1]} : vector<2048x2xf32> to vector<2048x1xf32>
    %convert_element_type3A_50 = arith.fptosi %slice3A : vector<2048x1xf32> to vector<2048x1xi32>
    %swap3A = arith.constant 0 : index
    %swap3A_51 = arith.constant 0 : index
    %swap3A_52 = vector.load %arg2[%swap3A, %swap3A_51] : memref<2048x1xi32, #tpu.memory_space<vmem>>, vector<2048x1xi32>
    tpu.vector_store %arg2[%swap3A, %swap3A_51], %convert_element_type3A_50 {strides = array<i32>} : memref<2048x1xi32, #tpu.memory_space<vmem>>, vector<2048x1xi32>,
    %slice3A_53 = vector.extract_strided_slice %dot_general3A_49 {offsets = [0, 1], sizes = [2048, 1], strides = [1, 1]} : vector<2048x2xf32> to vector<2048x1xf32>
    %swap3A_54 = arith.constant 0 : index
    %swap3A_55 = arith.constant 0 : index
    %swap3A_56 = vector.load %arg3[%swap3A_54, %swap3A_55] : memref<2048x1xf32, #tpu.memory_space<vmem>>, vector<2048x1xf32>
    tpu.vector_store %arg3[%swap3A_54, %swap3A_55], %slice3A_53 {strides = array<i32>} : memref<2048x1xf32, #tpu.memory_space<vmem>>, vector<2048x1xf32>,
    %swap3A_57 = arith.constant 0 : index
    %swap3A_58 = arith.constant 0 : index
    %swap3A_59 = vector.load %arg1[%swap3A_57, %swap3A_58] : memref<2048x1xi32, #tpu.memory_space<vmem>>, vector<2048x1xi32>
    tpu.vector_store %arg1[%swap3A_57, %swap3A_58], %convert_element_type3A_40 {strides = array<i32>} : memref<2048x1xi32, #tpu.memory_space<vmem>>, vector<2048x1xi32>,
    %convert_element_type3A_60 = arith.fptosi %broadcast_in_dim3A_19 : vector<1x64xf32> to vector<1x64xi32>
    %swap3A_61 = arith.constant 0 : index
    %swap3A_62 = arith.constant 0 : index
    %swap3A_63 = vector.load %arg4[%swap3A_61, %swap3A_62] : memref<1x64xi32, #tpu.memory_space<vmem>>, vector<1x64xi32>
    tpu.vector_store %arg4[%swap3A_61, %swap3A_62], %convert_element_type3A_60 {strides = array<i32>} : memref<1x64xi32, #tpu.memory_space<vmem>>, vector<1x64xi32>,
    return
  }
}

module attributes {stable_mosaic.version = 14 : i64} {
  func.func @_gmm_body(%arg0: i32, %arg1: memref<65xi32, #tpu.memory_space<smem>>, %arg2: memref<2048x1024xf32, #tpu.memory_space<vmem>>, %arg3: memref<2048x1xf32, #tpu.memory_space<vmem>>, %arg4: memref<1x768x1024xf32, #tpu.memory_space<vmem>>, %arg5: memref<1x768x1024xf32, #tpu.memory_space<vmem>>, %arg6: memref<2048x1024xf32, #tpu.memory_space<vmem>>) attributes {dimension_semantics = [#tpu.dimension_semantics<arbitrary>], iteration_bounds = array<i64: 64>, scalar_prefetch = 1 : i64, scratch_operands = 0 : i64, tpu.core_type = #tpu.core_type<tc>, window_params = [{pipeline_mode = #tpu.pipeline_mode<synchronous>, transform_indices = @transform_0, window_bounds = array<i64: 2048, 1024>}, {pipeline_mode = #tpu.pipeline_mode<synchronous>, transform_indices = @transform_1, window_bounds = array<i64: 2048, 1>}, {transform_indices = @transform_2, window_bounds = array<i64: 1, 768, 1024>}, {transform_indices = @transform_3, window_bounds = array<i64: 1, 768, 1024>}, {pipeline_mode = #tpu.pipeline_mode<synchronous>, transform_indices = @transform_4, window_bounds = array<i64: 2048, 1024>}]} {
    %get3A = arith.index_cast %arg0 : i32 to index
    %get3A_0 = memref.load %arg1[%get3A] : memref<65xi32, #tpu.memory_space<smem>>
    %add3A = arith.constant 1 : i32
    %add3A_1 = arith.addi %arg0, %add3A : i32
    %get3A_2 = arith.index_cast %add3A_1 : i32 to index
    %get3A_3 = memref.load %arg1[%get3A_2] : memref<65xi32, #tpu.memory_space<smem>>
    %rem3A = arith.constant 8 : i32
    %rem3A_4 = arith.remsi %get3A_0, %rem3A : i32
    %sub3A = arith.subi %get3A_0, %rem3A_4 : i32
    %sub3A_5 = arith.subi %get3A_3, %sub3A : i32
    %add3A_6 = arith.constant 128 : i32
    %add3A_7 = arith.addi %sub3A_5, %add3A_6 : i32
    %sub3A_8 = arith.constant 1 : i32
    %sub3A_9 = arith.subi %add3A_7, %sub3A_8 : i32
    %div3A = arith.constant 128 : i32
    %div3A_10 = arith.divsi %sub3A_9, %div3A : i32
    %get3A_11 = arith.constant 0 : index
    %get3A_12 = arith.constant 0 : index
    %get3A_13 = arith.constant 0 : index
    %get3A_14 = vector.load %arg4[%get3A_11, %get3A_12, %get3A_13] : memref<1x768x1024xf32, #tpu.memory_space<vmem>>, vector<1x768x1024xf32>
    %get3A_15 = vector.shape_cast %get3A_14 : vector<1x768x1024xf32> to vector<768x1024xf32>
    %convert_element_type3A = arith.truncf %get3A_15 : vector<768x1024xf32> to vector<768x1024xbf16>
    %get3A_16 = arith.constant 0 : index
    %get3A_17 = arith.constant 0 : index
    %get3A_18 = arith.constant 0 : index
    %get3A_19 = vector.load %arg5[%get3A_16, %get3A_17, %get3A_18] : memref<1x768x1024xf32, #tpu.memory_space<vmem>>, vector<1x768x1024xf32>
    %get3A_20 = vector.shape_cast %get3A_19 : vector<1x768x1024xf32> to vector<768x1024xf32>
    %convert_element_type3A_21 = arith.truncf %get3A_20 : vector<768x1024xf32> to vector<768x1024xbf16>
    %while3A = arith.constant 0 : i32
    %while3A_22 = arith.constant 0 : i32
    %while3A_23 = arith.subi %div3A_10, %while3A : i32
    %while3A_24 = arith.addi %while3A, %while3A_23 : i32
    %while3A_25 = arith.constant 1 : i32
    %while3A_26 = arith.divsi %while3A_23, %while3A_25 : i32
    %while3A_27 = arith.muli %while3A_26, %while3A_25 : i32
    %while3A_28 = arith.addi %while3A, %while3A_27 : i32
    %while3A_29 = arith.constant 1 : i32
    %while3A_30 = scf.for %while3A_33 = %while3A to %while3A_28 step %while3A_29 iter_args(%while3A_34 = %while3A_22) -> (i32)  : i32 {
      %mul3A = arith.constant 128 : i32
      %mul3A_35 = arith.muli %while3A_33, %mul3A : i32
      %add3A_36 = arith.addi %sub3A, %mul3A_35 : i32
      %min3A = arith.constant 1920 : i32
      %min3A_37 = arith.minsi %add3A_36, %min3A : i32
      %multiple_of3A = tpu.assume_multiple %min3A_37, 8 : i32
      %get3A_38 = arith.index_cast %multiple_of3A : i32 to index
      %get3A_39 = arith.constant 0 : index
      %get3A_40 = vector.load %arg2[%get3A_38, %get3A_39] : memref<2048x1024xf32, #tpu.memory_space<vmem>>, vector<128x1024xf32>
      %convert_element_type3A_41 = arith.truncf %get3A_40 : vector<128x1024xf32> to vector<128x1024xbf16>
      %dot_general3A = arith.constant dense<0.000000e+00> : vector<128x768xf32>
      %dot_general3A_42 = tpu.matmul %convert_element_type3A_41, %convert_element_type3A, %dot_general3A {dimension_numbers = #tpu.dot_dimension_numbers<[1], [1], [0], [0], [0, 0, 1, 0], [], []>, transpose_lhs_hint = false} : vector<128x1024xbf16>, vector<768x1024xbf16>, vector<128x768xf32> -> vector<128x768xf32>
      %mul3A_43 = arith.constant 5.000000e-01 : f32
      %mul3A_44 = vector.broadcast %mul3A_43 : f32 to vector<128x768xf32>
      %mul3A_45 = arith.mulf %mul3A_44, %dot_general3A_42 : vector<128x768xf32>
      %mul3A_46 = arith.constant 0.707106769 : f32
      %mul3A_47 = vector.broadcast %mul3A_46 : f32 to vector<128x768xf32>
      %mul3A_48 = arith.mulf %dot_general3A_42, %mul3A_47 : vector<128x768xf32>
      %erf3A = math.erf %mul3A_48 : vector<128x768xf32>
      %add3A_49 = arith.constant 1.000000e+00 : f32
      %add3A_50 = vector.broadcast %add3A_49 : f32 to vector<128x768xf32>
      %add3A_51 = arith.addf %add3A_50, %erf3A : vector<128x768xf32>
      %mul3A_52 = arith.mulf %mul3A_45, %add3A_51 : vector<128x768xf32>
      %convert_element_type3A_53 = arith.truncf %mul3A_52 : vector<128x768xf32> to vector<128x768xbf16>
      %dot_general3A_54 = arith.constant dense<0.000000e+00> : vector<128x1024xf32>
      %dot_general3A_55 = tpu.matmul %convert_element_type3A_53, %convert_element_type3A_21, %dot_general3A_54 {dimension_numbers = #tpu.dot_dimension_numbers<[1], [0], [0], [1], [0, 0, 1, 1], [], []>, transpose_lhs_hint = false} : vector<128x768xbf16>, vector<768x1024xbf16>, vector<128x1024xf32> -> vector<128x1024xf32>
      %get3A_56 = arith.index_cast %multiple_of3A : i32 to index
      %get3A_57 = arith.constant 0 : index
      %get3A_58 = vector.load %arg3[%get3A_56, %get3A_57] : memref<2048x1xf32, #tpu.memory_space<vmem>>, vector<128x1xf32>
      %mul3A_59 = vector.broadcast %get3A_58 : vector<128x1xf32> to vector<128x1024xf32>
      %mul3A_60 = arith.mulf %dot_general3A_55, %mul3A_59 : vector<128x1024xf32>
      %iota3A = tpu.iota {dimensions = array<i32: 0>} : vector<128x1xi32>
      %add3A_61 = vector.broadcast %multiple_of3A : i32 to vector<128x1xi32>
      %add3A_62 = arith.addi %add3A_61, %iota3A : vector<128x1xi32>
      %ge3A = vector.broadcast %get3A_0 : i32 to vector<128x1xi32>
      %ge3A_63 = arith.cmpi sge, %add3A_62, %ge3A : vector<128x1xi32>
      %lt3A = vector.broadcast %get3A_3 : i32 to vector<128x1xi32>
      %lt3A_64 = arith.cmpi slt, %add3A_62, %lt3A : vector<128x1xi32>
      %and3A = arith.andi %ge3A_63, %lt3A_64 : vector<128x1xi1>
      %get3A_65 = arith.index_cast %multiple_of3A : i32 to index
      %get3A_66 = arith.constant 0 : index
      %get3A_67 = vector.load %arg6[%get3A_65, %get3A_66] : memref<2048x1024xf32, #tpu.memory_space<vmem>>, vector<128x1024xf32>
      %broadcast_in_dim3A = vector.shape_cast %and3A : vector<128x1xi1> to vector<128x1xi1>
      %broadcast_in_dim3A_68 = vector.broadcast %broadcast_in_dim3A : vector<128x1xi1> to vector<128x1024xi1>
      %select_n3A = arith.select %broadcast_in_dim3A_68, %mul3A_60, %get3A_67 : vector<128x1024xi1>, vector<128x1024xf32>
      %swap3A = arith.index_cast %multiple_of3A : i32 to index
      %swap3A_69 = arith.constant 0 : index
      %swap3A_70 = vector.load %arg6[%swap3A, %swap3A_69] : memref<2048x1024xf32, #tpu.memory_space<vmem>>, vector<128x1024xf32>
      tpu.vector_store %arg6[%swap3A, %swap3A_69], %select_n3A {strides = array<i32>} : memref<2048x1024xf32, #tpu.memory_space<vmem>>, vector<128x1024xf32>,
      %while3A_71 = arith.constant 0 : i32
      scf.yield %while3A_71 : i32
    }
    %while3A_31 = arith.constant 1 : i32
    %while3A_32 = scf.for %while3A_33 = %while3A_28 to %while3A_24 step %while3A_31 iter_args(%while3A_34 = %while3A_30) -> (i32)  : i32 {
      %mul3A = arith.constant 128 : i32
      %mul3A_35 = arith.muli %while3A_33, %mul3A : i32
      %add3A_36 = arith.addi %sub3A, %mul3A_35 : i32
      %min3A = arith.constant 1920 : i32
      %min3A_37 = arith.minsi %add3A_36, %min3A : i32
      %multiple_of3A = tpu.assume_multiple %min3A_37, 8 : i32
      %get3A_38 = arith.index_cast %multiple_of3A : i32 to index
      %get3A_39 = arith.constant 0 : index
      %get3A_40 = vector.load %arg2[%get3A_38, %get3A_39] : memref<2048x1024xf32, #tpu.memory_space<vmem>>, vector<128x1024xf32>
      %convert_element_type3A_41 = arith.truncf %get3A_40 : vector<128x1024xf32> to vector<128x1024xbf16>
      %dot_general3A = arith.constant dense<0.000000e+00> : vector<128x768xf32>
      %dot_general3A_42 = tpu.matmul %convert_element_type3A_41, %convert_element_type3A, %dot_general3A {dimension_numbers = #tpu.dot_dimension_numbers<[1], [1], [0], [0], [0, 0, 1, 0], [], []>, transpose_lhs_hint = false} : vector<128x1024xbf16>, vector<768x1024xbf16>, vector<128x768xf32> -> vector<128x768xf32>
      %mul3A_43 = arith.constant 5.000000e-01 : f32
      %mul3A_44 = vector.broadcast %mul3A_43 : f32 to vector<128x768xf32>
      %mul3A_45 = arith.mulf %mul3A_44, %dot_general3A_42 : vector<128x768xf32>
      %mul3A_46 = arith.constant 0.707106769 : f32
      %mul3A_47 = vector.broadcast %mul3A_46 : f32 to vector<128x768xf32>
      %mul3A_48 = arith.mulf %dot_general3A_42, %mul3A_47 : vector<128x768xf32>
      %erf3A = math.erf %mul3A_48 : vector<128x768xf32>
      %add3A_49 = arith.constant 1.000000e+00 : f32
      %add3A_50 = vector.broadcast %add3A_49 : f32 to vector<128x768xf32>
      %add3A_51 = arith.addf %add3A_50, %erf3A : vector<128x768xf32>
      %mul3A_52 = arith.mulf %mul3A_45, %add3A_51 : vector<128x768xf32>
      %convert_element_type3A_53 = arith.truncf %mul3A_52 : vector<128x768xf32> to vector<128x768xbf16>
      %dot_general3A_54 = arith.constant dense<0.000000e+00> : vector<128x1024xf32>
      %dot_general3A_55 = tpu.matmul %convert_element_type3A_53, %convert_element_type3A_21, %dot_general3A_54 {dimension_numbers = #tpu.dot_dimension_numbers<[1], [0], [0], [1], [0, 0, 1, 1], [], []>, transpose_lhs_hint = false} : vector<128x768xbf16>, vector<768x1024xbf16>, vector<128x1024xf32> -> vector<128x1024xf32>
      %get3A_56 = arith.index_cast %multiple_of3A : i32 to index
      %get3A_57 = arith.constant 0 : index
      %get3A_58 = vector.load %arg3[%get3A_56, %get3A_57] : memref<2048x1xf32, #tpu.memory_space<vmem>>, vector<128x1xf32>
      %mul3A_59 = vector.broadcast %get3A_58 : vector<128x1xf32> to vector<128x1024xf32>
      %mul3A_60 = arith.mulf %dot_general3A_55, %mul3A_59 : vector<128x1024xf32>
      %iota3A = tpu.iota {dimensions = array<i32: 0>} : vector<128x1xi32>
      %add3A_61 = vector.broadcast %multiple_of3A : i32 to vector<128x1xi32>
      %add3A_62 = arith.addi %add3A_61, %iota3A : vector<128x1xi32>
      %ge3A = vector.broadcast %get3A_0 : i32 to vector<128x1xi32>
      %ge3A_63 = arith.cmpi sge, %add3A_62, %ge3A : vector<128x1xi32>
      %lt3A = vector.broadcast %get3A_3 : i32 to vector<128x1xi32>
      %lt3A_64 = arith.cmpi slt, %add3A_62, %lt3A : vector<128x1xi32>
      %and3A = arith.andi %ge3A_63, %lt3A_64 : vector<128x1xi1>
      %get3A_65 = arith.index_cast %multiple_of3A : i32 to index
      %get3A_66 = arith.constant 0 : index
      %get3A_67 = vector.load %arg6[%get3A_65, %get3A_66] : memref<2048x1024xf32, #tpu.memory_space<vmem>>, vector<128x1024xf32>
      %broadcast_in_dim3A = vector.shape_cast %and3A : vector<128x1xi1> to vector<128x1xi1>
      %broadcast_in_dim3A_68 = vector.broadcast %broadcast_in_dim3A : vector<128x1xi1> to vector<128x1024xi1>
      %select_n3A = arith.select %broadcast_in_dim3A_68, %mul3A_60, %get3A_67 : vector<128x1024xi1>, vector<128x1024xf32>
      %swap3A = arith.index_cast %multiple_of3A : i32 to index
      %swap3A_69 = arith.constant 0 : index
      %swap3A_70 = vector.load %arg6[%swap3A, %swap3A_69] : memref<2048x1024xf32, #tpu.memory_space<vmem>>, vector<128x1024xf32>
      tpu.vector_store %arg6[%swap3A, %swap3A_69], %select_n3A {strides = array<i32>} : memref<2048x1024xf32, #tpu.memory_space<vmem>>, vector<128x1024xf32>,
      %while3A_71 = arith.constant 0 : i32
      scf.yield %while3A_71 : i32
    }
    return
  }
  func.func @transform_0(%arg0: i32, %arg1: memref<65xi32, #tpu.memory_space<smem>>) -> (i32, i32) {
    %c0_i32 = arith.constant 0 : i32
    %c0_i32_0 = arith.constant 0 : i32
    %c0_i32_1 = arith.constant 0 : i32
    return %c0_i32, %c0_i32_0 : i32, i32
  }
  func.func @transform_1(%arg0: i32, %arg1: memref<65xi32, #tpu.memory_space<smem>>) -> (i32, i32) {
    %c0_i32 = arith.constant 0 : i32
    %c0_i32_0 = arith.constant 0 : i32
    %c0_i32_1 = arith.constant 0 : i32
    return %c0_i32, %c0_i32_0 : i32, i32
  }
  func.func @transform_2(%arg0: i32, %arg1: memref<65xi32, #tpu.memory_space<smem>>) -> (i32, i32, i32) {
    %c0_i32 = arith.constant 0 : i32
    %c0_i32_0 = arith.constant 0 : i32
    %c0_i32_1 = arith.constant 0 : i32
    return %arg0, %c0_i32, %c0_i32_0 : i32, i32, i32
  }
  func.func @transform_3(%arg0: i32, %arg1: memref<65xi32, #tpu.memory_space<smem>>) -> (i32, i32, i32) {
    %c0_i32 = arith.constant 0 : i32
    %c0_i32_0 = arith.constant 0 : i32
    %c0_i32_1 = arith.constant 0 : i32
    return %arg0, %c0_i32, %c0_i32_0 : i32, i32, i32
  }
  func.func @transform_4(%arg0: i32, %arg1: memref<65xi32, #tpu.memory_space<smem>>) -> (i32, i32) {
    %c0_i32 = arith.constant 0 : i32
    %c0_i32_0 = arith.constant 0 : i32
    %c0_i32_1 = arith.constant 0 : i32
    return %c0_i32, %c0_i32_0 : i32, i32
  }
}

</mosaic_0001>

<sc_bundles>
// kernel: kernel.6.cloned.1.call-start
scs
__scs_entry_jumppad:
0x0: {  	(pc) =	sbr.rel $0x88, $3  }
0x1: {  	(tag) =	ssettag $0x0;
	lr =	simm.s32 $0x1  }
0x2: {  	[smem:$0x3F9D] =	sst lr;
	_ =	strace $0xD0000000  }
0x3: {  	_ = 	snop  }
0x4: {  	_ = 	snop  }
0x5: {  	_ = 	snop  }
0x6: {  	_ = 	snop  }
0x7: {  	_ = 	snop  }
__scs_overlays_trampoline_lowered:
0x8: {  	[smem:$0x3FAC] =	sst s0  }
0x9: {  	[smem:$0x3FAD] =	sst s1  }
0xa: {  	[smem:$0x3FAE] =	sst s2  }
0xb: {  	[smem:$0x3FAF] =	sst s3  }
0xc: {  	[smem:$0x3FB0] =	sst s4  }
0xd: {  	[smem:$0x3FB1] =	sst s5  }
0xe: {  	[smem:$0x3FB2] =	sst s6  }
0xf: {  	[smem:$0x3FB3] =	sst s7  }
0x10: {  	[smem:$0x3FB4] =	sst s8  }
0x11: {  	[smem:$0x3FB5] =	sst s9;
	s0 =	simm.s32 @!p0 $0x0  }
0x12: {  	s1 =	sld [smem:$0x3F9B];
	s0 =	simm.s32 @p0 $0x1  }
0x13: {  	[smem:$0x3FB6] =	sst s0;
	s0 =	simm.s32 @!p1 $0x0  }
0x14: {  	s2 =	sld [smem:$0x3F9A];
	s0 =	simm.s32 @p1 $0x1  }
0x15: {  	[smem:$0x3FB7] =	sst s0;
	s0 =	simm.s32 @!p2 $0x0  }
0x16: {  	s3 =	sld [smem:$0x3FDB];
	s0 =	simm.s32 @p2 $0x1  }
0x17: {  	s4 =	simm.s32 $0x1BF5;
	[smem:$0x3FB9] =	sst s0  }
0x18: {  	s0 =	sld [smem:$0x3F9C];
	_ =	swait.ge [sflag:s4], $0x0  }
0x19: {  	s7 =	sld [smem:$0x3F9D]  }
0x1a: {  	s8 =	sadd.s32 $0xFFFFE003, lr  }
0x1b: {  	s9 =	sadd.s32 $0xFFFFFEF7, lr;
	s5 =	simm.s32 $0xFFFFFFFF;
	p2 =	slt.u32 s8, $0xFFFFF086  }
0x1c: {  	p1 =	slt.u32 s9, $0xF7A;
	s5 =	simm.s32 @!p2 $0x0  }
0x1d: {  	s5 =	simm.s32 @p1 $0x1;
	p0 =	seq.s32 s7, s2  }
0x1e: {  	s7 =	smul.u32 @!p0 $0xF7A, s2;
	p2 =	seq.s32 @!p0 s5, $0x0  }
0x1f: {  	s9 =	smul.u32 $0xF7A, s1;
	s8 =	simm.s32 @!p0 $0x1BF5;
	p2 =	por !p2, p0  }
0x20: {  	[sflag:s8] =	ssyncset.s32 @!p0 $0xFFFFF086;
	s6 =	sadd.s32 @!p0 s3, s7;
	s7 =	simm.s32 @!p0 $0x108  }
0x21: {  	s3 =	sadd.s32 s3, s9;
	s6 =	sadd.s32 @!p0 $0x88, s6;
	s7 =	simm.s32 @p2 $0x1082  }
0x22: {  	[simem:s7], [sflag:s8] =	dma.local @!p0 [hbm:s6], $0xF7A  }
0x23: {  	s9 =	sor.u32 $0xD0000000, s2;
	s6 =	simm.s32 $0x108;
	_ =	swait.ge @!p0 [sflag:s8], $0x0  }
0x24: {  	s3 =	sadd.s32 $0x88, s3;
	s6 =	simm.s32 @!p1 $0x1082;
	[sflag:s4] =	ssyncset.s32 $0xFFFFF086  }
0x25: {  	[simem:s6], [sflag:s4] =	dma.local [hbm:s3], $0xF7A  }
0x26: {  	[smem:$0x3F9D] =	sst s1;
	(tag) =	ssettag s2;
	_ =	strace s9  }
0x27: {  	s1 =	sld [smem:$0x3FAD]  }
0x28: {  	s2 =	sld [smem:$0x3FAE]  }
0x29: {  	s4 =	sld [smem:$0x3FB0]  }
0x2a: {  	p0 =	seq.s32 s5, $0x0;
	s5 =	sld [smem:$0x3FB1]  }
0x2b: {  	s6 =	sld [smem:$0x3FB2]  }
0x2c: {  	s7 =	sld [smem:$0x3FB3]  }
0x2d: {  	s3 =	simm.s32 $0x108;
	s8 =	sld [smem:$0x3FB4]  }
0x2e: {  	s3 =	simm.s32 @!p0 $0x1082;
	s9 =	sld [smem:$0x3FB5]  }
0x2f: {  	lr =	sadd.s32 s0, s3;
	s0 =	sld [smem:$0x3FAC]  }
0x30: {  	s3 =	sld [smem:$0x3FAF]  }
0x31: {  	[smem:$0x3FB8] =	sst s10  }
0x32: {  	s10 =	sld [smem:$0x3FB6];
	_ =	sdelay $0x3  }
0x33: {  	p0 =	seq.s32 s10, $0x1;
	s10 =	sld [smem:$0x3FB8];
	_ =	sdelay $0x3  }
0x34: {  	[smem:$0x3FB8] =	sst s10  }
0x35: {  	s10 =	sld [smem:$0x3FB7];
	_ =	sdelay $0x3  }
0x36: {  	p1 =	seq.s32 s10, $0x1;
	s10 =	sld [smem:$0x3FB8];
	_ =	sdelay $0x3  }
0x37: {  	[smem:$0x3FB8] =	sst s10  }
0x38: {  	s10 =	sld [smem:$0x3FB9]  }
0x39: {  	_ = 	snop;
	(pc) =	sbr.ind lr, $3  }
0x3a: {  	_ = 	snop  }
0x3b: {  	_ = 	snop  }
0x3c: {  	p2 =	seq.s32 s10, $0x1;
	s10 =	sld [smem:$0x3FB8]  }
0x3d: {  	_ =	shalt  }
0x3e: {  	_ =	shalt  }
0x3f: {  	_ =	shalt  }
0x40: {  	_ =	shalt  }
0x41: {  	_ =	shalt  }
0x42: {  	_ =	shalt  }
0x43: {  	_ =	shalt  }
0x44: {  	_ =	shalt  }
0x45: {  	_ =	shalt  }
0x46: {  	_ =	shalt  }
0x47: {  	_ =	shalt  }
0x48: {  	_ =	shalt  }
0x49: {  	_ =	shalt  }
0x4a: {  	_ =	shalt  }
0x4b: {  	_ =	shalt  }
0x4c: {  	_ =	shalt  }
0x4d: {  	_ =	shalt  }
0x4e: {  	_ =	shalt  }
0x4f: {  	_ =	shalt  }
0x50: {  	_ =	shalt  }
0x51: {  	_ =	shalt  }
0x52: {  	_ =	shalt  }
0x53: {  	_ =	shalt  }
0x54: {  	_ =	shalt  }
0x55: {  	_ =	shalt  }
0x56: {  	_ =	shalt  }
0x57: {  	_ =	shalt  }
0x58: {  	_ =	shalt  }
0x59: {  	_ =	shalt  }
0x5a: {  	_ =	shalt  }
0x5b: {  	_ =	shalt  }
0x5c: {  	_ =	shalt  }
0x5d: {  	_ =	shalt  }
0x5e: {  	_ =	shalt  }
0x5f: {  	_ =	shalt  }
0x60: {  	_ =	shalt  }
0x61: {  	_ =	shalt  }
0x62: {  	_ =	shalt  }
0x63: {  	_ =	shalt  }
0x64: {  	_ =	shalt  }
0x65: {  	_ =	shalt  }
0x66: {  	_ =	shalt  }
0x67: {  	_ =	shalt  }
0x68: {  	_ =	shalt  }
0x69: {  	_ =	shalt  }
0x6a: {  	_ =	shalt  }
0x6b: {  	_ =	shalt  }
0x6c: {  	_ =	shalt  }
0x6d: {  	_ =	shalt  }
0x6e: {  	_ =	shalt  }
0x6f: {  	_ =	shalt  }
0x70: {  	_ =	shalt  }
0x71: {  	_ =	shalt  }
0x72: {  	_ =	shalt  }
0x73: {  	_ =	shalt  }
0x74: {  	_ =	shalt  }
0x75: {  	_ =	shalt  }
0x76: {  	_ =	shalt  }
0x77: {  	_ =	shalt  }
0x78: {  	_ =	shalt  }
0x79: {  	_ =	shalt  }
0x7a: {  	_ =	shalt  }
0x7b: {  	_ =	shalt  }
0x7c: {  	_ =	shalt  }
0x7d: {  	_ =	shalt  }
0x7e: {  	_ =	shalt  }
0x7f: {  	_ =	shalt  }
0x80: {  	_ =	shalt  }
0x81: {  	_ =	shalt  }
0x82: {  	_ =	shalt  }
0x83: {  	_ =	shalt  }
0x84: {  	_ =	shalt  }
0x85: {  	_ =	shalt  }
0x86: {  	_ =	shalt  }
0x87: {  	_ =	shalt  }
.Lfunc_end0:
.L_simem_size_0:
called_computation_lowered:
.L_overlay_start_0:
0x88: {  	s2 =	sld [smem:$0x3FD9]  }
0x89: {  	s3 =	sld [smem:$0x3FFE];
	_ =	sdelay $0x1  }
0x8a: {  	s1 =	srdreg.scid  }
0x8b: {  	s0 =	sand.u32 $0x1, s1  }
0x8c: {  	s17 =	sshll.u32 s0, $0xA;
	s2 =	sadd.s32 s3, s2  }
0x8d: {  	s2 =	sadd.s32 s2, s17  }
0x8e: {  	[smem:$0x3FC4] =	sst s2  }
0x8f: {  	_ = 	snop  }
0x90: {  	s2 =	sld [smem:$0x3FC9]  }
0x91: {  	s18 =	sld [smem:$0x3FD0];
	(tm) =	ssettm $0x1  }
0x92: {  	s4 =	sld [smem:$0x3FFB];
	_ =	sdelay $0x3  }
0x93: {  	_ =	strace s4  }
0x94: {  	s4 =	sld [smem:$0x3FFC];
	_ =	sdelay $0x3  }
0x95: {  	_ =	strace s4  }
0x96: {  	s4 =	sld [smem:$0x3FFD];
	_ =	sdelay $0x3  }
0x97: {  	_ =	strace s4  }
0x98: {  	_ =	strace $0x8FFFFFFF  }
0x99: {  	s19 =	sld [smem:$0x3FDB];
	_ =	sdelay $0x1  }
0x9a: {  	s5 =	simm.s32 $_scs_section_size  }
0x9b: {  	s6 =	simm.s32 $_size__tile_overlayer_lowered;
	s7 =	simm.s32 $_tile_overlayer_lowered  }
0x9c: {  	s22 =	simm.s32 $0x1BFF;
	s21 =	sshll.u32 s7, $0x1;
	s4 =	sadd.s32 s5, s19  }
0x9d: {  	s8 =	simm.s32 $0x0;
	s20 =	sshll.u32 s6, $0x1;
	s6 =	sadd.s32 s21, s4  }
0x9e: {  	[timem:s8], [sflag:s22] =	dma.local [hbm:s6], s20  }
0x9f: {  	_ =	swait.ge [sflag:s22], s20  }
0xa0: {  	s5 =	ssub.s32 $0x0, s20;
	[sflag:s22] =	ssyncset.done $0x0  }
0xa1: {  	[sflag:s22] =	ssyncadd.s32 s5;
	_ =	sdelay $0x1  }
0xa2: {  	s23 =	simm.s32 $0x1B8B  }
0xa3: {  	_ =	swait.ge [sflag:s23], $0x1  }
0xa4: {  	[sflag:s23] =	ssyncset.done $0x0  }
0xa5: {  	s25 =	simm.s32 $0x1B8E;
	s24 =	sld [smem:$0x3FFE];
	[sflag:s23] =	ssyncadd.s32 $0xFFFFFFFF  }
0xa6: {  	s26 =	simm.s32 $execute0_lowered;
	[smem:$0x3FD2] =	sst s25  }
0xa7: {  	s6 =	sshll.u32 s26, $0x1;
	_ =	strace $0x80000046;
	[dreg:$0x1] =	wrdreg $0xFFFFFFFF  }
0xa8: {  	s28 =	simm.s32 $_size_execute0_lowered;
	s4 =	sadd.s32 s4, s6;
	[dreg:$0x0] =	wrdreg $0x0  }
0xa9: {  	s6 =	sshll.u32 s28, $0x1;
	[dreg:$0x2] =	wrdreg s4  }
0xaa: {  	[dreg:$0x3] =	wrdreg s6  }
0xab: {  	[dreg:$0x4] =	wrdreg $0xC0  }
0xac: {  	_ =	task [dreg:s8], $0x5FFFF  }
0xad: {  	[dreg:$0x1] =	wrdreg $0xFFFFFFFF  }
0xae: {  	[dreg:$0x0] =	wrdreg $0x60  }
0xaf: {  	[dreg:$0x2] =	wrdreg s2  }
0xb0: {  	[dreg:$0x3] =	wrdreg s24  }
0xb1: {  	[dreg:$0x4] =	wrdreg s18  }
0xb2: {  	[dreg:$0x5] =	wrdreg $0x9  }
0xb3: {  	_ =	task.clear_ibuf [dreg:s8], $0x6FFFF;
	_ =	strace $0x90000046  }
0xb4: {  	s29 =	simm.s32 $0x9;
	_ =	strace $0x80000048  }
0xb5: {  	_ =	swait.ge [sflag:s29], $0x1  }
0xb6: {  	[sflag:s29] =	ssyncadd.s32 $0xFFFFFFFF  }
0xb7: {  	_ =	strace $0x90000048  }
0xb8: {  	_ =	sfence  }
0xb9: {  	s30 =	sld [smem:$0x0];
	_ =	sdelay $0x2  }
0xba: {  	s31 =	sshll.u32 s1, $0xD;
	s1 =	sshrl.u32 s1, $0x2  }
0xbb: {  	s3 =	sand.u32 $0x4000, s31;
	s1 =	sadd.s32 s1, s30  }
0xbc: {  	s0 =	sor.u32 s3, s0;
	s1 =	sshll.u32 s1, $0x11  }
0xbd: {  	s0 =	sor.u32 s1, s0  }
0xbe: {  	s0 =	sadd.s32 $0x8F2B, s0  }
0xbf: {  	[sflag:s0] =	ssyncadd.remote.s32 $0x1  }
0xc0: {  	_ =	sfence.sel $0xFFFF  }
0xc1: {  	[dreg:$0x0] =	wrdreg $0xFFFFFFFF;
	(pc) =	sbr.abs _section_cstart, $3  }
0xc2: {  	[dreg:$0x1] =	wrdreg $0xFFFFFFFF  }
0xc3: {  	_ =	task.clear_ibuf [dreg:s8], $0x2FFFF;
	_ =	strace $0x9FFFFFFF  }
0xc4: {  	(tm) =	ssettm $0x7FFFFFFF  }
0xc5: {  	_ =	shalt  }
tec
execute0_lowered:
.L_overlay_start_1:
0x0: {  	(tag) =	ssettag $0x1  }
0x1: {  	s1 =	rddreg [dreg:$0x0]  }
0x2: {  	s2 =	srdreg.scid;
	s4 =	rddreg [dreg:$0x1]  }
0x3: {  	s0 =	stileid.u32;
	s5 =	rddreg [dreg:$0x2]  }
0x4: {  	s3 =	simm.s32 $0x0;
	s17 =	simm.s32 $0x880;
	s18 =	simm.s32 $0x1080  }
0x5: {  	s19 =	simm.s32 $0x1880;
	s21 =	simm.s32 $0x2080;
	s22 =	simm.s32 $0x2880  }
0x6: {  	s23 =	simm.s32 $0x3080;
	s24 =	simm.s32 $0x3880;
	[smem:$0x7FF] =	sst s3  }
0x7: {  	s8 =	simm.s32 $0x4080;
	_ =	strace $0x80000047;
	[dreg:$0x6] =	wrdreg s17  }
0x8: {  	s25 =	simm.s32 $0x4880;
	s26 =	simm.s32 $0x5080;
	[dreg:$0x7] =	wrdreg s18  }
0x9: {  	s9 =	simm.s32 $0x80;
	s11 =	simm.s32 $0x6080;
	[dreg:$0x8] =	wrdreg s19  }
0xa: {  	s12 =	simm.s32 $0x6880;
	s13 =	simm.s32 $0x7080;
	[dreg:$0x9] =	wrdreg s21  }
0xb: {  	s14 =	simm.s32 $0x7880;
	s15 =	simm.s32 $0x8080;
	[dreg:$0xa] =	wrdreg s22  }
0xc: {  	s28 =	simm.s32 $0xE080;
	s29 =	simm.s32 $0xE880;
	[dreg:$0xb] =	wrdreg s23  }
0xd: {  	s30 =	simm.s32 $0xF080;
	s31 =	simm.s32 $0xF880;
	[dreg:$0xc] =	wrdreg s24  }
0xe: {  	s2 =	sand.u32 $0x1, s2;
	s6 =	sshll.u32 s0, $0x7;
	[dreg:$0xd] =	wrdreg s8  }
0xf: {  	s7 =	sshll.u32 s2, $0x6;
	s2 =	ssub.s32 $0x2, s2;
	[dreg:$0xe] =	wrdreg s25  }
0x10: {  	s8 =	simm.s32 $0x2;
	[dreg:$0xf] =	wrdreg s26;
	s17 =	simm.s32 $0x9080  }
0x11: {  	s18 =	simm.s32 $0x9880;
	s19 =	simm.s32 $0xA080;
	s21 =	simm.s32 $0xB080  }
0x12: {  	s22 =	simm.s32 $0xB880;
	s23 =	simm.s32 $0xC080;
	s24 =	simm.s32 $0xC880  }
0x13: {  	s25 =	simm.s32 $0xD080;
	s26 =	simm.s32 $0xD880;
	s6 =	sor.u32 s7, s6  }
0x14: {  	s20 =	sshrl.u32 s2, $0x1;
	s7 =	sshrl.u32 s6, $0x3;
	s6 =	sshll.u32 s6, $0x7  }
0x15: {  	s2 =	ssub.s32 s2, s20;
	s20 =	simm.s32 $0xA880;
	s4 =	sadd.s32 s4, s7  }
0x16: {  	v2 =	vlaneseq.u32;
	s16 =	sadd.s32 s5, s6;
	s5 =	sadd.s32 $0x200, s1;
	s6 =	sadd.s32 $0x300, s1  }
0x17: {  	vm0 =	vmmov $0xffff;
	v1 =	vshrl.u32 v2, $0x3;
	s7 =	smax.u32 s2, $0x1;
	s2 =	simm.s32 $0x1;
	[dreg:$0x4] =	wrdreg s4  }
0x18: {  	v0 =	vand.u32 $0x7, v2;
	v2 =	vor.u32 $0x8, v2;
	v1 =	vmul.u32 $0x8, v1;
	[dreg:$0x5] =	wrdreg s16;
	s4 =	sadd.s32 $0x100, s1;
	s16 =	simm.s32 $0x8880  }
.LBB2_1:
0x19: {  	s0 =	rddreg [dreg:$0x4]  }
0x1a: {  	[tilespmem:s3], [sflag:$0x2] =	stream.linear.gather [hbm4b:s0+s3], $0x40, $0x38;
	[tilespmem:$0x10080] =	vst v63  }
0x1b: {  	_ =	swait.ge [sflag:s8], $0x40  }
0x1c: {  	[sflag:s8] =	ssyncset.done $0x0  }
0x1d: {  	[sflag:s8] =	ssyncadd.s32 $0xFFFFFFC0  }
0x1e: {  	v3 =	vld [tilespmem:$0x0];
	_ =	sdelay $0x4  }
0x1f: {  	v4 =	vshll.u32 v3, $0x3  }
0x20: {  	v3 =	vand.u32 $0x7, v3;
	v4 =	vand.u32 $0xFFFFFFC0, v4  }
0x21: {  	v3 =	vor.u32 v3, v4  }
0x22: {  	v4 =	vperm.xlane v3, v0;
	_ =	sdelay $0x1  }
0x23: {  	v4 =	vadd.s32 v1, v4;
	_ =	sdelay $0x4  }
0x24: {  	[tilespmem:s9], [sflag:$0x1] =	stream.indirect_vreg.gather [hbm4b:s1+s3], $0x80, v4, vm0, $0xb8;
	[tilespmem:$0x10080] =	vst v63  }
0x25: {  	s0 =	rddreg [dreg:$0x6];
	v3 =	vperm.xlane v3, v2  }
0x26: {  	[tilespmem:s0], [sflag:$0x1] =	stream.indirect_vreg.gather [hbm4b:s4+s3], $0x80, v4, vm0, $0xb8;
	[tilespmem:$0x10080] =	vst v63  }
0x27: {  	s10 =	rddreg [dreg:$0x7];
	v3 =	vadd.s32 v1, v3  }
0x28: {  	[tilespmem:s10], [sflag:$0x1] =	stream.indirect_vreg.gather [hbm4b:s5+s3], $0x80, v4, vm0, $0xb8;
	[tilespmem:$0x10080] =	vst v63  }
0x29: {  	s0 =	rddreg [dreg:$0x8]  }
0x2a: {  	[tilespmem:s0], [sflag:$0x1] =	stream.indirect_vreg.gather [hbm4b:s6+s3], $0x80, v4, vm0, $0xb8;
	[tilespmem:$0x10080] =	vst v63  }
0x2b: {  	s10 =	rddreg [dreg:$0x9]  }
0x2c: {  	[tilespmem:s10], [sflag:$0x1] =	stream.indirect_vreg.gather [hbm4b:s1+s3], $0x80, v3, vm0, $0xb8;
	[tilespmem:$0x10080] =	vst v63  }
0x2d: {  	s0 =	rddreg [dreg:$0xa]  }
0x2e: {  	[tilespmem:s0], [sflag:$0x1] =	stream.indirect_vreg.gather [hbm4b:s4+s3], $0x80, v3, vm0, $0xb8;
	[tilespmem:$0x10080] =	vst v63  }
0x2f: {  	s10 =	rddreg [dreg:$0xb]  }
0x30: {  	[tilespmem:s10], [sflag:$0x1] =	stream.indirect_vreg.gather [hbm4b:s5+s3], $0x80, v3, vm0, $0xb8;
	[tilespmem:$0x10080] =	vst v63  }
0x31: {  	s0 =	rddreg [dreg:$0xc]  }
0x32: {  	[tilespmem:s0], [sflag:$0x1] =	stream.indirect_vreg.gather [hbm4b:s6+s3], $0x80, v3, vm0, $0xb8;
	[tilespmem:$0x10080] =	vst v63  }
0x33: {  	v3 =	vld [tilespmem:$0x10];
	_ =	sdelay $0x4  }
0x34: {  	v61 =	vshll.u32 v3, $0x3  }
0x35: {  	v3 =	vand.u32 $0x7, v3;
	v4 =	vand.u32 $0xFFFFFFC0, v61  }
0x36: {  	v3 =	vor.u32 v3, v4  }
0x37: {  	v4 =	vperm.xlane v3, v0;
	_ =	sdelay $0x1  }
0x38: {  	v4 =	vadd.s32 v1, v4;
	_ =	sdelay $0x3  }
0x39: {  	s0 =	rddreg [dreg:$0xd]  }
0x3a: {  	[tilespmem:s0], [sflag:$0x1] =	stream.indirect_vreg.gather [hbm4b:s1+s3], $0x80, v4, vm0, $0xb8;
	[tilespmem:$0x10080] =	vst v63  }
0x3b: {  	s10 =	rddreg [dreg:$0xe];
	v3 =	vperm.xlane v3, v2  }
0x3c: {  	[tilespmem:s10], [sflag:$0x1] =	stream.indirect_vreg.gather [hbm4b:s4+s3], $0x80, v4, vm0, $0xb8;
	[tilespmem:$0x10080] =	vst v63  }
0x3d: {  	v3 =	vadd.s32 v1, v3;
	s0 =	rddreg [dreg:$0xf]  }
0x3e: {  	[tilespmem:s0], [sflag:$0x1] =	stream.indirect_vreg.gather [hbm4b:s5+s3], $0x80, v4, vm0, $0xb8;
	[tilespmem:$0x10080] =	vst v63  }
0x3f: {  	s10 =	simm.s32 $0x5880  }
0x40: {  	[tilespmem:s10], [sflag:$0x1] =	stream.indirect_vreg.gather [hbm4b:s6+s3], $0x80, v4, vm0, $0xb8;
	[tilespmem:$0x10080] =	vst v63  }
0x41: {  	_ = 	snop  }
0x42: {  	[tilespmem:s11], [sflag:$0x1] =	stream.indirect_vreg.gather [hbm4b:s1+s3], $0x80, v3, vm0, $0xb8;
	[tilespmem:$0x10080] =	vst v63  }
0x43: {  	_ = 	snop  }
0x44: {  	[tilespmem:s12], [sflag:$0x1] =	stream.indirect_vreg.gather [hbm4b:s4+s3], $0x80, v3, vm0, $0xb8;
	[tilespmem:$0x10080] =	vst v63  }
0x45: {  	_ = 	snop  }
0x46: {  	[tilespmem:s13], [sflag:$0x1] =	stream.indirect_vreg.gather [hbm4b:s5+s3], $0x80, v3, vm0, $0xb8;
	[tilespmem:$0x10080] =	vst v63  }
0x47: {  	_ = 	snop  }
0x48: {  	[tilespmem:s14], [sflag:$0x1] =	stream.indirect_vreg.gather [hbm4b:s6+s3], $0x80, v3, vm0, $0xb8;
	[tilespmem:$0x10080] =	vst v63  }
0x49: {  	v3 =	vld [tilespmem:$0x20];
	_ =	sdelay $0x4  }
0x4a: {  	v62 =	vshll.u32 v3, $0x3  }
0x4b: {  	v3 =	vand.u32 $0x7, v3;
	v4 =	vand.u32 $0xFFFFFFC0, v62  }
0x4c: {  	v3 =	vor.u32 v3, v4  }
0x4d: {  	v4 =	vperm.xlane v3, v0;
	_ =	sdelay $0x1  }
0x4e: {  	v4 =	vadd.s32 v1, v4;
	_ =	sdelay $0x4  }
0x4f: {  	[tilespmem:s15], [sflag:$0x1] =	stream.indirect_vreg.gather [hbm4b:s1+s3], $0x80, v4, vm0, $0xb8;
	[tilespmem:$0x10080] =	vst v63  }
0x50: {  	v3 =	vperm.xlane v3, v2  }
0x51: {  	[tilespmem:s16], [sflag:$0x1] =	stream.indirect_vreg.gather [hbm4b:s4+s3], $0x80, v4, vm0, $0xb8;
	[tilespmem:$0x10080] =	vst v63  }
0x52: {  	v3 =	vadd.s32 v1, v3  }
0x53: {  	[tilespmem:s17], [sflag:$0x1] =	stream.indirect_vreg.gather [hbm4b:s5+s3], $0x80, v4, vm0, $0xb8;
	[tilespmem:$0x10080] =	vst v63  }
0x54: {  	_ = 	snop  }
0x55: {  	[tilespmem:s18], [sflag:$0x1] =	stream.indirect_vreg.gather [hbm4b:s6+s3], $0x80, v4, vm0, $0xb8;
	[tilespmem:$0x10080] =	vst v63  }
0x56: {  	_ = 	snop  }
0x57: {  	[tilespmem:s19], [sflag:$0x1] =	stream.indirect_vreg.gather [hbm4b:s1+s3], $0x80, v3, vm0, $0xb8;
	[tilespmem:$0x10080] =	vst v63  }
0x58: {  	_ = 	snop  }
0x59: {  	[tilespmem:s20], [sflag:$0x1] =	stream.indirect_vreg.gather [hbm4b:s4+s3], $0x80, v3, vm0, $0xb8;
	[tilespmem:$0x10080] =	vst v63  }
0x5a: {  	_ = 	snop  }
0x5b: {  	[tilespmem:s21], [sflag:$0x1] =	stream.indirect_vreg.gather [hbm4b:s5+s3], $0x80, v3, vm0, $0xb8;
	[tilespmem:$0x10080] =	vst v63  }
0x5c: {  	_ = 	snop  }
0x5d: {  	[tilespmem:s22], [sflag:$0x1] =	stream.indirect_vreg.gather [hbm4b:s6+s3], $0x80, v3, vm0, $0xb8;
	[tilespmem:$0x10080] =	vst v63  }
0x5e: {  	v3 =	vld [tilespmem:$0x30];
	_ =	sdelay $0x4  }
0x5f: {  	v63 =	vshll.u32 v3, $0x3  }
0x60: {  	v3 =	vand.u32 $0x7, v3;
	v4 =	vand.u32 $0xFFFFFFC0, v63  }
0x61: {  	v3 =	vor.u32 v3, v4  }
0x62: {  	v4 =	vperm.xlane v3, v0;
	_ =	sdelay $0x1  }
0x63: {  	v4 =	vadd.s32 v1, v4;
	_ =	sdelay $0x4  }
0x64: {  	[tilespmem:s23], [sflag:$0x1] =	stream.indirect_vreg.gather [hbm4b:s1+s3], $0x80, v4, vm0, $0xb8;
	[tilespmem:$0x10080] =	vst v63  }
0x65: {  	v3 =	vperm.xlane v3, v2  }
0x66: {  	[tilespmem:s24], [sflag:$0x1] =	stream.indirect_vreg.gather [hbm4b:s4+s3], $0x80, v4, vm0, $0xb8;
	[tilespmem:$0x10080] =	vst v63  }
0x67: {  	v3 =	vadd.s32 v1, v3  }
0x68: {  	[tilespmem:s25], [sflag:$0x1] =	stream.indirect_vreg.gather [hbm4b:s5+s3], $0x80, v4, vm0, $0xb8;
	[tilespmem:$0x10080] =	vst v63  }
0x69: {  	_ = 	snop  }
0x6a: {  	[tilespmem:s26], [sflag:$0x1] =	stream.indirect_vreg.gather [hbm4b:s6+s3], $0x80, v4, vm0, $0xb8;
	[tilespmem:$0x10080] =	vst v63  }
0x6b: {  	_ = 	snop  }
0x6c: {  	[tilespmem:s28], [sflag:$0x1] =	stream.indirect_vreg.gather [hbm4b:s1+s3], $0x80, v3, vm0, $0xb8;
	[tilespmem:$0x10080] =	vst v63  }
0x6d: {  	_ = 	snop  }
0x6e: {  	[tilespmem:s29], [sflag:$0x1] =	stream.indirect_vreg.gather [hbm4b:s4+s3], $0x80, v3, vm0, $0xb8;
	[tilespmem:$0x10080] =	vst v63  }
0x6f: {  	_ = 	snop  }
0x70: {  	[tilespmem:s30], [sflag:$0x1] =	stream.indirect_vreg.gather [hbm4b:s5+s3], $0x80, v3, vm0, $0xb8;
	[tilespmem:$0x10080] =	vst v63  }
0x71: {  	_ = 	snop  }
0x72: {  	[tilespmem:s31], [sflag:$0x1] =	stream.indirect_vreg.gather [hbm4b:s6+s3], $0x80, v3, vm0, $0xb8;
	[tilespmem:$0x10080] =	vst v63  }
0x73: {  	_ =	swait.ge [sflag:s2], $0x10000  }
0x74: {  	p0 =	sne.s32 s7, $0x1;
	[sflag:s2] =	ssyncset.done $0x0  }
.Ltmp0:
0x75: {  	s10 =	rddreg [dreg:$0x5];
	[sflag:s2] =	ssyncadd.s32 $0xFFFF0000;
	(pc) =	sbr.rel @p0 .LBB2_1-.Ltmp0, $4  }
0x76: {  	[hbm4b:s10+s3] =	stream.linear.scatter [tilespmem:s9], [sflag:$0x2], $0x10000, $0x38;
	[tilespmem:$0x10080] =	vst v63  }
0x77: {  	_ =	swait.ge [sflag:s8], $0x10000  }
0x78: {  	[sflag:s8] =	ssyncset.done $0x0  }
0x79: {  	s7 =	sadd.s32 $0xFFFFFFFF, s7;
	[sflag:s8] =	ssyncadd.s32 $0xFFFF0000  }
0x7a: {  	_ =	sfence.sel $0x180000  }
0x7b: {  	[bflag:$0x0] =	sbarrier.arrive $0xFFFF  }
0x7c: {  	_ =	strace $0x90000047  }
0x7d: {  	s0 =	stileid.u32;
	[bflag:$0x2] =	sbarrier.arrive $0xFFFF  }
0x7e: {  	p0 =	sne.s32 s0, $0x0;
	s0 =	rddreg [dreg:$0x3]  }
0x7f: {  	s0 =	sadd.s32 @!p0 $0x100000, s0  }
0x80: {  	[sflag:s0] =	ssyncadd.tile.s32 @!p0 $0x1;
	_ =	shalt  }
.Lfunc_end2:
_tile_overlayer_lowered:
.L_overlay_start_2:
0x81: {  	(tag) =	ssettag $0x2  }
0x82: {  	s0 =	rddreg [dreg:$0x0];
	s2 =	stileid.u32  }
0x83: {  	s1 =	rddreg [dreg:$0x1];
	p0 =	sne.s32 s2, $0x0  }
0x84: {  	s3 =	rddreg [dreg:$0x2];
	[bflag:$0x3] =	sbarrier.arrive $0xFFFF;
	s2 =	simm.s32 @!p0 $0x1C02  }
0x85: {  	[timem:s3], [sflag:s2] =	dma.local @!p0 [hbm:s0], s1  }
0x86: {  	s0 =	simm.s32 @!p0 $0x2  }
0x87: {  	_ =	swait.ge @!p0 [sflag:s0], s1  }
0x88: {  	s1 =	ssub.s32 @!p0 $0x0, s1;
	[sflag:s0] =	ssyncset.done @!p0 $0x0  }
0x89: {  	[sflag:s0] =	ssyncadd.s32 @!p0 s1  }
0x8a: {  	[bflag:$0x3] =	sbarrier.arrive $0xFFFF  }
0x8b: {  	_ =	shalt  }

// kernel: kernel.9.cloned.1.call-start
scs
__scs_entry_jumppad:
0x0: {  	(pc) =	sbr.rel $0x88, $3  }
0x1: {  	(tag) =	ssettag $0x0;
	lr =	simm.s32 $0x1  }
0x2: {  	[smem:$0x3F9D] =	sst lr;
	_ =	strace $0xD0000000  }
0x3: {  	_ = 	snop  }
0x4: {  	_ = 	snop  }
0x5: {  	_ = 	snop  }
0x6: {  	_ = 	snop  }
0x7: {  	_ = 	snop  }
__scs_overlays_trampoline_lowered:
0x8: {  	[smem:$0x3FAC] =	sst s0  }
0x9: {  	[smem:$0x3FAD] =	sst s1  }
0xa: {  	[smem:$0x3FAE] =	sst s2  }
0xb: {  	[smem:$0x3FAF] =	sst s3  }
0xc: {  	[smem:$0x3FB0] =	sst s4  }
0xd: {  	[smem:$0x3FB1] =	sst s5  }
0xe: {  	[smem:$0x3FB2] =	sst s6  }
0xf: {  	[smem:$0x3FB3] =	sst s7  }
0x10: {  	[smem:$0x3FB4] =	sst s8  }
0x11: {  	[smem:$0x3FB5] =	sst s9;
	s0 =	simm.s32 @!p0 $0x0  }
0x12: {  	s1 =	sld [smem:$0x3F9B];
	s0 =	simm.s32 @p0 $0x1  }
0x13: {  	[smem:$0x3FB6] =	sst s0;
	s0 =	simm.s32 @!p1 $0x0  }
0x14: {  	s2 =	sld [smem:$0x3F9A];
	s0 =	simm.s32 @p1 $0x1  }
0x15: {  	[smem:$0x3FB7] =	sst s0;
	s0 =	simm.s32 @!p2 $0x0  }
0x16: {  	s3 =	sld [smem:$0x3FDB];
	s0 =	simm.s32 @p2 $0x1  }
0x17: {  	s4 =	simm.s32 $0x1BF5;
	[smem:$0x3FB9] =	sst s0  }
0x18: {  	s0 =	sld [smem:$0x3F9C];
	_ =	swait.ge [sflag:s4], $0x0  }
0x19: {  	s7 =	sld [smem:$0x3F9D]  }
0x1a: {  	s8 =	sadd.s32 $0xFFFFE003, lr  }
0x1b: {  	s9 =	sadd.s32 $0xFFFFFEF7, lr;
	s5 =	simm.s32 $0xFFFFFFFF;
	p2 =	slt.u32 s8, $0xFFFFF086  }
0x1c: {  	p1 =	slt.u32 s9, $0xF7A;
	s5 =	simm.s32 @!p2 $0x0  }
0x1d: {  	s5 =	simm.s32 @p1 $0x1;
	p0 =	seq.s32 s7, s2  }
0x1e: {  	s7 =	smul.u32 @!p0 $0xF7A, s2;
	p2 =	seq.s32 @!p0 s5, $0x0  }
0x1f: {  	s9 =	smul.u32 $0xF7A, s1;
	s8 =	simm.s32 @!p0 $0x1BF5;
	p2 =	por !p2, p0  }
0x20: {  	[sflag:s8] =	ssyncset.s32 @!p0 $0xFFFFF086;
	s6 =	sadd.s32 @!p0 s3, s7;
	s7 =	simm.s32 @!p0 $0x108  }
0x21: {  	s3 =	sadd.s32 s3, s9;
	s6 =	sadd.s32 @!p0 $0x88, s6;
	s7 =	simm.s32 @p2 $0x1082  }
0x22: {  	[simem:s7], [sflag:s8] =	dma.local @!p0 [hbm:s6], $0xF7A  }
0x23: {  	s9 =	sor.u32 $0xD0000000, s2;
	s6 =	simm.s32 $0x108;
	_ =	swait.ge @!p0 [sflag:s8], $0x0  }
0x24: {  	s3 =	sadd.s32 $0x88, s3;
	s6 =	simm.s32 @!p1 $0x1082;
	[sflag:s4] =	ssyncset.s32 $0xFFFFF086  }
0x25: {  	[simem:s6], [sflag:s4] =	dma.local [hbm:s3], $0xF7A  }
0x26: {  	[smem:$0x3F9D] =	sst s1;
	(tag) =	ssettag s2;
	_ =	strace s9  }
0x27: {  	s1 =	sld [smem:$0x3FAD]  }
0x28: {  	s2 =	sld [smem:$0x3FAE]  }
0x29: {  	s4 =	sld [smem:$0x3FB0]  }
0x2a: {  	p0 =	seq.s32 s5, $0x0;
	s5 =	sld [smem:$0x3FB1]  }
0x2b: {  	s6 =	sld [smem:$0x3FB2]  }
0x2c: {  	s7 =	sld [smem:$0x3FB3]  }
0x2d: {  	s3 =	simm.s32 $0x108;
	s8 =	sld [smem:$0x3FB4]  }
0x2e: {  	s3 =	simm.s32 @!p0 $0x1082;
	s9 =	sld [smem:$0x3FB5]  }
0x2f: {  	lr =	sadd.s32 s0, s3;
	s0 =	sld [smem:$0x3FAC]  }
0x30: {  	s3 =	sld [smem:$0x3FAF]  }
0x31: {  	[smem:$0x3FB8] =	sst s10  }
0x32: {  	s10 =	sld [smem:$0x3FB6];
	_ =	sdelay $0x3  }
0x33: {  	p0 =	seq.s32 s10, $0x1;
	s10 =	sld [smem:$0x3FB8];
	_ =	sdelay $0x3  }
0x34: {  	[smem:$0x3FB8] =	sst s10  }
0x35: {  	s10 =	sld [smem:$0x3FB7];
	_ =	sdelay $0x3  }
0x36: {  	p1 =	seq.s32 s10, $0x1;
	s10 =	sld [smem:$0x3FB8];
	_ =	sdelay $0x3  }
0x37: {  	[smem:$0x3FB8] =	sst s10  }
0x38: {  	s10 =	sld [smem:$0x3FB9]  }
0x39: {  	_ = 	snop;
	(pc) =	sbr.ind lr, $3  }
0x3a: {  	_ = 	snop  }
0x3b: {  	_ = 	snop  }
0x3c: {  	p2 =	seq.s32 s10, $0x1;
	s10 =	sld [smem:$0x3FB8]  }
0x3d: {  	_ =	shalt  }
0x3e: {  	_ =	shalt  }
0x3f: {  	_ =	shalt  }
0x40: {  	_ =	shalt  }
0x41: {  	_ =	shalt  }
0x42: {  	_ =	shalt  }
0x43: {  	_ =	shalt  }
0x44: {  	_ =	shalt  }
0x45: {  	_ =	shalt  }
0x46: {  	_ =	shalt  }
0x47: {  	_ =	shalt  }
0x48: {  	_ =	shalt  }
0x49: {  	_ =	shalt  }
0x4a: {  	_ =	shalt  }
0x4b: {  	_ =	shalt  }
0x4c: {  	_ =	shalt  }
0x4d: {  	_ =	shalt  }
0x4e: {  	_ =	shalt  }
0x4f: {  	_ =	shalt  }
0x50: {  	_ =	shalt  }
0x51: {  	_ =	shalt  }
0x52: {  	_ =	shalt  }
0x53: {  	_ =	shalt  }
0x54: {  	_ =	shalt  }
0x55: {  	_ =	shalt  }
0x56: {  	_ =	shalt  }
0x57: {  	_ =	shalt  }
0x58: {  	_ =	shalt  }
0x59: {  	_ =	shalt  }
0x5a: {  	_ =	shalt  }
0x5b: {  	_ =	shalt  }
0x5c: {  	_ =	shalt  }
0x5d: {  	_ =	shalt  }
0x5e: {  	_ =	shalt  }
0x5f: {  	_ =	shalt  }
0x60: {  	_ =	shalt  }
0x61: {  	_ =	shalt  }
0x62: {  	_ =	shalt  }
0x63: {  	_ =	shalt  }
0x64: {  	_ =	shalt  }
0x65: {  	_ =	shalt  }
0x66: {  	_ =	shalt  }
0x67: {  	_ =	shalt  }
0x68: {  	_ =	shalt  }
0x69: {  	_ =	shalt  }
0x6a: {  	_ =	shalt  }
0x6b: {  	_ =	shalt  }
0x6c: {  	_ =	shalt  }
0x6d: {  	_ =	shalt  }
0x6e: {  	_ =	shalt  }
0x6f: {  	_ =	shalt  }
0x70: {  	_ =	shalt  }
0x71: {  	_ =	shalt  }
0x72: {  	_ =	shalt  }
0x73: {  	_ =	shalt  }
0x74: {  	_ =	shalt  }
0x75: {  	_ =	shalt  }
0x76: {  	_ =	shalt  }
0x77: {  	_ =	shalt  }
0x78: {  	_ =	shalt  }
0x79: {  	_ =	shalt  }
0x7a: {  	_ =	shalt  }
0x7b: {  	_ =	shalt  }
0x7c: {  	_ =	shalt  }
0x7d: {  	_ =	shalt  }
0x7e: {  	_ =	shalt  }
0x7f: {  	_ =	shalt  }
0x80: {  	_ =	shalt  }
0x81: {  	_ =	shalt  }
0x82: {  	_ =	shalt  }
0x83: {  	_ =	shalt  }
0x84: {  	_ =	shalt  }
0x85: {  	_ =	shalt  }
0x86: {  	_ =	shalt  }
0x87: {  	_ =	shalt  }
.Lfunc_end0:
.L_simem_size_0:
called_computation.1_lowered:
.L_overlay_start_0:
0x88: {  	s2 =	sld [smem:$0x3FD9]  }
0x89: {  	s3 =	sld [smem:$0x3FFE];
	_ =	sdelay $0x1  }
0x8a: {  	s1 =	srdreg.scid  }
0x8b: {  	s0 =	sand.u32 $0x1, s1  }
0x8c: {  	s17 =	sshll.u32 s0, $0xA;
	s2 =	sadd.s32 s3, s2  }
0x8d: {  	s2 =	sadd.s32 s2, s17  }
0x8e: {  	[smem:$0x3FC4] =	sst s2  }
0x8f: {  	_ = 	snop  }
0x90: {  	s2 =	sld [smem:$0x3FD0];
	(tm) =	ssettm $0x1  }
0x91: {  	s18 =	sld [smem:$0x3FFB];
	_ =	sdelay $0x3  }
0x92: {  	_ =	strace s18  }
0x93: {  	s3 =	sld [smem:$0x3FFC];
	_ =	sdelay $0x3  }
0x94: {  	_ =	strace s3  }
0x95: {  	s3 =	sld [smem:$0x3FFD];
	_ =	sdelay $0x3  }
0x96: {  	_ =	strace s3  }
0x97: {  	_ =	strace $0x8FFFFFFF  }
0x98: {  	s19 =	sld [smem:$0x3FDB];
	_ =	sdelay $0x1  }
0x99: {  	s4 =	simm.s32 $_scs_section_size  }
0x9a: {  	s5 =	simm.s32 $_size__tile_overlayer_lowered;
	s6 =	simm.s32 $_tile_overlayer_lowered  }
0x9b: {  	s22 =	simm.s32 $0x1BFF;
	s21 =	sshll.u32 s6, $0x1;
	s3 =	sadd.s32 s4, s19  }
0x9c: {  	s7 =	simm.s32 $0x0;
	s20 =	sshll.u32 s5, $0x1;
	s5 =	sadd.s32 s21, s3  }
0x9d: {  	[timem:s7], [sflag:s22] =	dma.local [hbm:s5], s20  }
0x9e: {  	_ =	swait.ge [sflag:s22], s20  }
0x9f: {  	s4 =	ssub.s32 $0x0, s20;
	[sflag:s22] =	ssyncset.done $0x0  }
0xa0: {  	[sflag:s22] =	ssyncadd.s32 s4;
	_ =	sdelay $0x1  }
0xa1: {  	s23 =	simm.s32 $0x1B8B  }
0xa2: {  	_ =	swait.ge [sflag:s23], $0x1  }
0xa3: {  	[sflag:s23] =	ssyncset.done $0x0  }
0xa4: {  	s25 =	simm.s32 $0x1B8E;
	s24 =	sld [smem:$0x3FFE];
	[sflag:s23] =	ssyncadd.s32 $0xFFFFFFFF  }
0xa5: {  	s26 =	simm.s32 $execute0_lowered;
	[smem:$0x3FD2] =	sst s25  }
0xa6: {  	s5 =	sshll.u32 s26, $0x1;
	_ =	strace $0x80000049;
	[dreg:$0x1] =	wrdreg $0xFFFFFFFF  }
0xa7: {  	s28 =	simm.s32 $_size_execute0_lowered;
	s3 =	sadd.s32 s3, s5;
	[dreg:$0x0] =	wrdreg $0x0  }
0xa8: {  	s5 =	sshll.u32 s28, $0x1;
	[dreg:$0x2] =	wrdreg s3  }
0xa9: {  	[dreg:$0x3] =	wrdreg s5  }
0xaa: {  	[dreg:$0x4] =	wrdreg $0xC0  }
0xab: {  	_ =	task [dreg:s7], $0x5FFFF  }
0xac: {  	[dreg:$0x1] =	wrdreg $0xFFFFFFFF  }
0xad: {  	[dreg:$0x0] =	wrdreg $0x60  }
0xae: {  	[dreg:$0x2] =	wrdreg s24  }
0xaf: {  	[dreg:$0x3] =	wrdreg s2  }
0xb0: {  	[dreg:$0x4] =	wrdreg $0x9  }
0xb1: {  	_ =	task.clear_ibuf [dreg:s7], $0x5FFFF;
	_ =	strace $0x90000049  }
0xb2: {  	s29 =	simm.s32 $0x9;
	_ =	strace $0x8000004B  }
0xb3: {  	_ =	swait.ge [sflag:s29], $0x1  }
0xb4: {  	[sflag:s29] =	ssyncadd.s32 $0xFFFFFFFF  }
0xb5: {  	_ =	strace $0x9000004B  }
0xb6: {  	_ =	sfence  }
0xb7: {  	s30 =	sld [smem:$0x0];
	_ =	sdelay $0x2  }
0xb8: {  	s31 =	sshll.u32 s1, $0xD;
	s1 =	sshrl.u32 s1, $0x2  }
0xb9: {  	s3 =	sand.u32 $0x4000, s31;
	s1 =	sadd.s32 s1, s30  }
0xba: {  	s0 =	sor.u32 s3, s0;
	s1 =	sshll.u32 s1, $0x11  }
0xbb: {  	s0 =	sor.u32 s1, s0  }
0xbc: {  	s0 =	sadd.s32 $0x8F2B, s0  }
0xbd: {  	[sflag:s0] =	ssyncadd.remote.s32 $0x1  }
0xbe: {  	_ =	sfence.sel $0xFFFF  }
0xbf: {  	[dreg:$0x0] =	wrdreg $0xFFFFFFFF;
	(pc) =	sbr.abs _section_cstart, $3  }
0xc0: {  	[dreg:$0x1] =	wrdreg $0xFFFFFFFF  }
0xc1: {  	_ =	task.clear_ibuf [dreg:s7], $0x2FFFF;
	_ =	strace $0x9FFFFFFF  }
0xc2: {  	(tm) =	ssettm $0x7FFFFFFF  }
0xc3: {  	_ =	shalt  }
tec
execute0_lowered:
.L_overlay_start_1:
0x0: {  	(tag) =	ssettag $0x1  }
0x1: {  	s1 =	srdreg.scid  }
0x2: {  	s0 =	stileid.u32;
	s6 =	rddreg [dreg:$0x0]  }
0x3: {  	s4 =	rddreg [dreg:$0x1];
	s18 =	simm.s32 $0x880;
	s19 =	simm.s32 $0x1080  }
0x4: {  	s20 =	simm.s32 $0x1880;
	s22 =	simm.s32 $0x2080;
	s23 =	simm.s32 $0x2880  }
0x5: {  	s7 =	simm.s32 $0x3080;
	s24 =	simm.s32 $0x3880;
	s8 =	simm.s32 $0x4080  }
0x6: {  	s25 =	simm.s32 $0x4880;
	s26 =	simm.s32 $0x5080;
	s1 =	sand.u32 $0x1, s1  }
0x7: {  	s9 =	simm.s32 $0x80;
	s2 =	sshll.u32 s0, $0x7;
	s3 =	sshll.u32 s1, $0x6  }
0x8: {  	s11 =	simm.s32 $0x6080;
	s3 =	sor.u32 s3, s2;
	s2 =	simm.s32 $0x0  }
0x9: {  	s12 =	simm.s32 $0x6880;
	s13 =	simm.s32 $0x7080;
	[smem:$0x7FF] =	sst s2  }
0xa: {  	s14 =	simm.s32 $0x7880;
	_ =	strace $0x8000004A;
	[dreg:$0x5] =	wrdreg s18  }
0xb: {  	s15 =	simm.s32 $0x8080;
	s16 =	simm.s32 $0x8880;
	[dreg:$0x6] =	wrdreg s19  }
0xc: {  	s17 =	simm.s32 $0x9080;
	s28 =	simm.s32 $0xE080;
	[dreg:$0x7] =	wrdreg s20  }
0xd: {  	s29 =	simm.s32 $0xE880;
	s30 =	simm.s32 $0xF080;
	[dreg:$0x8] =	wrdreg s22  }
0xe: {  	s31 =	simm.s32 $0xF880;
	s1 =	ssub.s32 $0x2, s1;
	[dreg:$0x9] =	wrdreg s23  }
0xf: {  	s21 =	sshrl.u32 s1, $0x1;
	s5 =	sshrl.u32 s3, $0x3;
	[dreg:$0xa] =	wrdreg s7  }
0x10: {  	s3 =	sshll.u32 s3, $0x7;
	s1 =	ssub.s32 s1, s21;
	[dreg:$0xb] =	wrdreg s24  }
0x11: {  	s21 =	simm.s32 $0xB080;
	s5 =	sadd.s32 s5, s6;
	[dreg:$0xc] =	wrdreg s8  }
0x12: {  	s3 =	sadd.s32 s4, s3;
	s4 =	sadd.s32 $0x500, s6;
	[dreg:$0xd] =	wrdreg s25  }
0x13: {  	s7 =	smax.u32 s1, $0x1;
	s8 =	simm.s32 $0x2;
	[dreg:$0xe] =	wrdreg s26  }
0x14: {  	s18 =	simm.s32 $0x9880;
	s19 =	simm.s32 $0xA080;
	s20 =	simm.s32 $0xA880  }
0x15: {  	s22 =	simm.s32 $0xB880;
	s23 =	simm.s32 $0xC080;
	s24 =	simm.s32 $0xC880  }
0x16: {  	v2 =	vlaneseq.u32;
	s25 =	simm.s32 $0xD080;
	s26 =	simm.s32 $0xD880;
	s1 =	simm.s32 $0x1  }
0x17: {  	vm0 =	vmmov $0xffff;
	v1 =	vshrl.u32 v2, $0x3;
	s5 =	sadd.s32 $0x200, s5;
	[dreg:$0x4] =	wrdreg s3;
	s3 =	sadd.s32 $0x400, s6  }
0x18: {  	v0 =	vand.u32 $0x7, v2;
	v2 =	vor.u32 $0x8, v2;
	v1 =	vmul.u32 $0x8, v1;
	[dreg:$0x3] =	wrdreg s5;
	s5 =	sadd.s32 $0x600, s6;
	s6 =	sadd.s32 $0x700, s6  }
.LBB2_1:
0x19: {  	s0 =	rddreg [dreg:$0x3]  }
0x1a: {  	[tilespmem:s2], [sflag:$0x2] =	stream.linear.gather [hbm4b:s0+s2], $0x40, $0x38;
	[tilespmem:$0x10080] =	vst v63  }
0x1b: {  	_ =	swait.ge [sflag:s8], $0x40  }
0x1c: {  	[sflag:s8] =	ssyncset.done $0x0  }
0x1d: {  	[sflag:s8] =	ssyncadd.s32 $0xFFFFFFC0  }
0x1e: {  	v3 =	vld [tilespmem:$0x0];
	_ =	sdelay $0x4  }
0x1f: {  	v4 =	vshll.u32 v3, $0x3  }
0x20: {  	v3 =	vand.u32 $0x7, v3;
	v4 =	vand.u32 $0xFFFFFFC0, v4  }
0x21: {  	v3 =	vor.u32 v3, v4  }
0x22: {  	v4 =	vperm.xlane v3, v0;
	_ =	sdelay $0x1  }
0x23: {  	v4 =	vadd.s32 v1, v4;
	_ =	sdelay $0x4  }
0x24: {  	[tilespmem:s9], [sflag:$0x1] =	stream.indirect_vreg.gather [hbm4b:s3+s2], $0x80, v4, vm0, $0xb8;
	[tilespmem:$0x10080] =	vst v63  }
0x25: {  	s0 =	rddreg [dreg:$0x5];
	v3 =	vperm.xlane v3, v2  }
0x26: {  	[tilespmem:s0], [sflag:$0x1] =	stream.indirect_vreg.gather [hbm4b:s4+s2], $0x80, v4, vm0, $0xb8;
	[tilespmem:$0x10080] =	vst v63  }
0x27: {  	s10 =	rddreg [dreg:$0x6];
	v3 =	vadd.s32 v1, v3  }
0x28: {  	[tilespmem:s10], [sflag:$0x1] =	stream.indirect_vreg.gather [hbm4b:s5+s2], $0x80, v4, vm0, $0xb8;
	[tilespmem:$0x10080] =	vst v63  }
0x29: {  	s0 =	rddreg [dreg:$0x7]  }
0x2a: {  	[tilespmem:s0], [sflag:$0x1] =	stream.indirect_vreg.gather [hbm4b:s6+s2], $0x80, v4, vm0, $0xb8;
	[tilespmem:$0x10080] =	vst v63  }
0x2b: {  	s10 =	rddreg [dreg:$0x8]  }
0x2c: {  	[tilespmem:s10], [sflag:$0x1] =	stream.indirect_vreg.gather [hbm4b:s3+s2], $0x80, v3, vm0, $0xb8;
	[tilespmem:$0x10080] =	vst v63  }
0x2d: {  	s0 =	rddreg [dreg:$0x9]  }
0x2e: {  	[tilespmem:s0], [sflag:$0x1] =	stream.indirect_vreg.gather [hbm4b:s4+s2], $0x80, v3, vm0, $0xb8;
	[tilespmem:$0x10080] =	vst v63  }
0x2f: {  	s10 =	rddreg [dreg:$0xa]  }
0x30: {  	[tilespmem:s10], [sflag:$0x1] =	stream.indirect_vreg.gather [hbm4b:s5+s2], $0x80, v3, vm0, $0xb8;
	[tilespmem:$0x10080] =	vst v63  }
0x31: {  	s0 =	rddreg [dreg:$0xb]  }
0x32: {  	[tilespmem:s0], [sflag:$0x1] =	stream.indirect_vreg.gather [hbm4b:s6+s2], $0x80, v3, vm0, $0xb8;
	[tilespmem:$0x10080] =	vst v63  }
0x33: {  	v3 =	vld [tilespmem:$0x10];
	_ =	sdelay $0x4  }
0x34: {  	v61 =	vshll.u32 v3, $0x3  }
0x35: {  	v3 =	vand.u32 $0x7, v3;
	v4 =	vand.u32 $0xFFFFFFC0, v61  }
0x36: {  	v3 =	vor.u32 v3, v4  }
0x37: {  	v4 =	vperm.xlane v3, v0;
	_ =	sdelay $0x1  }
0x38: {  	v4 =	vadd.s32 v1, v4;
	_ =	sdelay $0x3  }
0x39: {  	s0 =	rddreg [dreg:$0xc]  }
0x3a: {  	[tilespmem:s0], [sflag:$0x1] =	stream.indirect_vreg.gather [hbm4b:s3+s2], $0x80, v4, vm0, $0xb8;
	[tilespmem:$0x10080] =	vst v63  }
0x3b: {  	s10 =	rddreg [dreg:$0xd];
	v3 =	vperm.xlane v3, v2  }
0x3c: {  	[tilespmem:s10], [sflag:$0x1] =	stream.indirect_vreg.gather [hbm4b:s4+s2], $0x80, v4, vm0, $0xb8;
	[tilespmem:$0x10080] =	vst v63  }
0x3d: {  	v3 =	vadd.s32 v1, v3;
	s0 =	rddreg [dreg:$0xe]  }
0x3e: {  	[tilespmem:s0], [sflag:$0x1] =	stream.indirect_vreg.gather [hbm4b:s5+s2], $0x80, v4, vm0, $0xb8;
	[tilespmem:$0x10080] =	vst v63  }
0x3f: {  	s10 =	simm.s32 $0x5880  }
0x40: {  	[tilespmem:s10], [sflag:$0x1] =	stream.indirect_vreg.gather [hbm4b:s6+s2], $0x80, v4, vm0, $0xb8;
	[tilespmem:$0x10080] =	vst v63  }
0x41: {  	_ = 	snop  }
0x42: {  	[tilespmem:s11], [sflag:$0x1] =	stream.indirect_vreg.gather [hbm4b:s3+s2], $0x80, v3, vm0, $0xb8;
	[tilespmem:$0x10080] =	vst v63  }
0x43: {  	_ = 	snop  }
0x44: {  	[tilespmem:s12], [sflag:$0x1] =	stream.indirect_vreg.gather [hbm4b:s4+s2], $0x80, v3, vm0, $0xb8;
	[tilespmem:$0x10080] =	vst v63  }
0x45: {  	_ = 	snop  }
0x46: {  	[tilespmem:s13], [sflag:$0x1] =	stream.indirect_vreg.gather [hbm4b:s5+s2], $0x80, v3, vm0, $0xb8;
	[tilespmem:$0x10080] =	vst v63  }
0x47: {  	_ = 	snop  }
0x48: {  	[tilespmem:s14], [sflag:$0x1] =	stream.indirect_vreg.gather [hbm4b:s6+s2], $0x80, v3, vm0, $0xb8;
	[tilespmem:$0x10080] =	vst v63  }
0x49: {  	v3 =	vld [tilespmem:$0x20];
	_ =	sdelay $0x4  }
0x4a: {  	v62 =	vshll.u32 v3, $0x3  }
0x4b: {  	v3 =	vand.u32 $0x7, v3;
	v4 =	vand.u32 $0xFFFFFFC0, v62  }
0x4c: {  	v3 =	vor.u32 v3, v4  }
0x4d: {  	v4 =	vperm.xlane v3, v0;
	_ =	sdelay $0x1  }
0x4e: {  	v4 =	vadd.s32 v1, v4;
	_ =	sdelay $0x4  }
0x4f: {  	[tilespmem:s15], [sflag:$0x1] =	stream.indirect_vreg.gather [hbm4b:s3+s2], $0x80, v4, vm0, $0xb8;
	[tilespmem:$0x10080] =	vst v63  }
0x50: {  	v3 =	vperm.xlane v3, v2  }
0x51: {  	[tilespmem:s16], [sflag:$0x1] =	stream.indirect_vreg.gather [hbm4b:s4+s2], $0x80, v4, vm0, $0xb8;
	[tilespmem:$0x10080] =	vst v63  }
0x52: {  	v3 =	vadd.s32 v1, v3  }
0x53: {  	[tilespmem:s17], [sflag:$0x1] =	stream.indirect_vreg.gather [hbm4b:s5+s2], $0x80, v4, vm0, $0xb8;
	[tilespmem:$0x10080] =	vst v63  }
0x54: {  	_ = 	snop  }
0x55: {  	[tilespmem:s18], [sflag:$0x1] =	stream.indirect_vreg.gather [hbm4b:s6+s2], $0x80, v4, vm0, $0xb8;
	[tilespmem:$0x10080] =	vst v63  }
0x56: {  	_ = 	snop  }
0x57: {  	[tilespmem:s19], [sflag:$0x1] =	stream.indirect_vreg.gather [hbm4b:s3+s2], $0x80, v3, vm0, $0xb8;
	[tilespmem:$0x10080] =	vst v63  }
0x58: {  	_ = 	snop  }
0x59: {  	[tilespmem:s20], [sflag:$0x1] =	stream.indirect_vreg.gather [hbm4b:s4+s2], $0x80, v3, vm0, $0xb8;
	[tilespmem:$0x10080] =	vst v63  }
0x5a: {  	_ = 	snop  }
0x5b: {  	[tilespmem:s21], [sflag:$0x1] =	stream.indirect_vreg.gather [hbm4b:s5+s2], $0x80, v3, vm0, $0xb8;
	[tilespmem:$0x10080] =	vst v63  }
0x5c: {  	_ = 	snop  }
0x5d: {  	[tilespmem:s22], [sflag:$0x1] =	stream.indirect_vreg.gather [hbm4b:s6+s2], $0x80, v3, vm0, $0xb8;
	[tilespmem:$0x10080] =	vst v63  }
0x5e: {  	v3 =	vld [tilespmem:$0x30];
	_ =	sdelay $0x4  }
0x5f: {  	v63 =	vshll.u32 v3, $0x3  }
0x60: {  	v3 =	vand.u32 $0x7, v3;
	v4 =	vand.u32 $0xFFFFFFC0, v63  }
0x61: {  	v3 =	vor.u32 v3, v4  }
0x62: {  	v4 =	vperm.xlane v3, v0;
	_ =	sdelay $0x1  }
0x63: {  	v4 =	vadd.s32 v1, v4;
	_ =	sdelay $0x4  }
0x64: {  	[tilespmem:s23], [sflag:$0x1] =	stream.indirect_vreg.gather [hbm4b:s3+s2], $0x80, v4, vm0, $0xb8;
	[tilespmem:$0x10080] =	vst v63  }
0x65: {  	v3 =	vperm.xlane v3, v2  }
0x66: {  	[tilespmem:s24], [sflag:$0x1] =	stream.indirect_vreg.gather [hbm4b:s4+s2], $0x80, v4, vm0, $0xb8;
	[tilespmem:$0x10080] =	vst v63  }
0x67: {  	v3 =	vadd.s32 v1, v3  }
0x68: {  	[tilespmem:s25], [sflag:$0x1] =	stream.indirect_vreg.gather [hbm4b:s5+s2], $0x80, v4, vm0, $0xb8;
	[tilespmem:$0x10080] =	vst v63  }
0x69: {  	_ = 	snop  }
0x6a: {  	[tilespmem:s26], [sflag:$0x1] =	stream.indirect_vreg.gather [hbm4b:s6+s2], $0x80, v4, vm0, $0xb8;
	[tilespmem:$0x10080] =	vst v63  }
0x6b: {  	_ = 	snop  }
0x6c: {  	[tilespmem:s28], [sflag:$0x1] =	stream.indirect_vreg.gather [hbm4b:s3+s2], $0x80, v3, vm0, $0xb8;
	[tilespmem:$0x10080] =	vst v63  }
0x6d: {  	_ = 	snop  }
0x6e: {  	[tilespmem:s29], [sflag:$0x1] =	stream.indirect_vreg.gather [hbm4b:s4+s2], $0x80, v3, vm0, $0xb8;
	[tilespmem:$0x10080] =	vst v63  }
0x6f: {  	_ = 	snop  }
0x70: {  	[tilespmem:s30], [sflag:$0x1] =	stream.indirect_vreg.gather [hbm4b:s5+s2], $0x80, v3, vm0, $0xb8;
	[tilespmem:$0x10080] =	vst v63  }
0x71: {  	_ = 	snop  }
0x72: {  	[tilespmem:s31], [sflag:$0x1] =	stream.indirect_vreg.gather [hbm4b:s6+s2], $0x80, v3, vm0, $0xb8;
	[tilespmem:$0x10080] =	vst v63  }
0x73: {  	_ =	swait.ge [sflag:s1], $0x10000  }
0x74: {  	p0 =	sne.s32 s7, $0x1;
	[sflag:s1] =	ssyncset.done $0x0  }
.Ltmp0:
0x75: {  	s10 =	rddreg [dreg:$0x4];
	[sflag:s1] =	ssyncadd.s32 $0xFFFF0000;
	(pc) =	sbr.rel @p0 .LBB2_1-.Ltmp0, $4  }
0x76: {  	[hbm4b:s10+s2] =	stream.linear.scatter [tilespmem:s9], [sflag:$0x2], $0x10000, $0x38;
	[tilespmem:$0x10080] =	vst v63  }
0x77: {  	_ =	swait.ge [sflag:s8], $0x10000  }
0x78: {  	[sflag:s8] =	ssyncset.done $0x0  }
0x79: {  	s7 =	sadd.s32 $0xFFFFFFFF, s7;
	[sflag:s8] =	ssyncadd.s32 $0xFFFF0000  }
0x7a: {  	_ =	sfence.sel $0x180000  }
0x7b: {  	[bflag:$0x0] =	sbarrier.arrive $0xFFFF  }
0x7c: {  	_ =	strace $0x9000004A  }
0x7d: {  	s0 =	stileid.u32;
	[bflag:$0x2] =	sbarrier.arrive $0xFFFF  }
0x7e: {  	p0 =	sne.s32 s0, $0x0;
	s0 =	rddreg [dreg:$0x2]  }
0x7f: {  	s0 =	sadd.s32 @!p0 $0x100000, s0  }
0x80: {  	[sflag:s0] =	ssyncadd.tile.s32 @!p0 $0x1;
	_ =	shalt  }
.Lfunc_end2:
_tile_overlayer_lowered:
.L_overlay_start_2:
0x81: {  	(tag) =	ssettag $0x2  }
0x82: {  	s0 =	rddreg [dreg:$0x0];
	s2 =	stileid.u32  }
0x83: {  	s1 =	rddreg [dreg:$0x1];
	p0 =	sne.s32 s2, $0x0  }
0x84: {  	s3 =	rddreg [dreg:$0x2];
	[bflag:$0x3] =	sbarrier.arrive $0xFFFF;
	s2 =	simm.s32 @!p0 $0x1C02  }
0x85: {  	[timem:s3], [sflag:s2] =	dma.local @!p0 [hbm:s0], s1  }
0x86: {  	s0 =	simm.s32 @!p0 $0x2  }
0x87: {  	_ =	swait.ge @!p0 [sflag:s0], s1  }
0x88: {  	s1 =	ssub.s32 @!p0 $0x0, s1;
	[sflag:s0] =	ssyncset.done @!p0 $0x0  }
0x89: {  	[sflag:s0] =	ssyncadd.s32 @!p0 s1  }
0x8a: {  	[bflag:$0x3] =	sbarrier.arrive $0xFFFF  }
0x8b: {  	_ =	shalt  }

</sc_bundles>
